<compile_context>
chip_gen: v7x
topology: tpu7x:2x2x1
jax: 0.10.2.dev20260603
libtpu: 0.0.44.dev20260713+nightly
codegen_flags: <defaults>
</compile_context>

<pallas_src>
import functools

import jax
import jax.numpy as jnp
from jax import lax
from jax.experimental import pallas as pl
from jax.experimental.pallas import tpu as pltpu
from jax.experimental.pallas import tpu_sc as plsc

_R = 1024


_LN = 128


def _embed_gather(x_flat, table):
    n_tok = x_flat.shape[0]
    d = table.shape[1]
    seg = d // _LN
    idx2 = (x_flat.reshape(-1, 8)[:, None, :] * seg
            + jnp.arange(seg, dtype=jnp.int32)[None, :, None]).reshape(-1)
    table2 = table.reshape(-1, _LN)

    info = plsc.get_sparse_core_info()
    nc, ns = info.num_cores, info.num_subcores
    nw = nc * ns
    rows_out = n_tok * seg
    per_w = rows_out // nw
    k6 = per_w // _LN

    mesh = plsc.VectorSubcoreMesh(core_axis_name="c", subcore_axis_name="s")

    @functools.partial(
        pl.kernel,
        mesh=mesh,
        out_type=jax.ShapeDtypeStruct((rows_out, _LN), jnp.float32),
        scratch_types=[
            pltpu.VMEM((k6, _LN), jnp.int32),
            pltpu.VMEM((per_w, _LN), jnp.float32),
            pltpu.SemaphoreType.DMA,
        ],
    )
    def gather_kernel(idx_hbm, table_hbm, out_hbm, idx_v, rows_v, sem):
        wid = lax.axis_index("s") * nc + lax.axis_index("c")
        base = wid * per_w
        for b in range(k6):
            pltpu.sync_copy(idx_hbm.at[pl.ds(base + b * _LN, _LN)],
                            idx_v.at[b])
        copies = [
            pltpu.async_copy(table_hbm.at[idx_v.at[b]],
                             rows_v.at[pl.ds(b * _LN, _LN)], sem)
            for b in range(k6)
        ]
        for cp in copies:
            cp.wait()
        pltpu.sync_copy(rows_v, out_hbm.at[pl.ds(base, per_w)])

    return gather_kernel(idx2, table2)



_NT = (((1,), (0,)), ((), ()))
_TT = (((1,), (1,)), ((), ()))



def _mega_body(cpb, cap, h_ref, td_ref, wrkv_ref, wo_ref, mk_ref, mv_ref,
               wc_ref, wd_ref, wout_ref, bout_ref,
               out_ref, cn_ref, cd_ref, a_ref, b_ref):
    i = pl.program_id(0)
    seg = h_ref.shape[1]
    rr = h_ref.shape[0] * h_ref.shape[2]
    dd = seg * h_ref.shape[3]

    @pl.when(i % cpb == 0)
    def _():
        cn_ref[...] = jnp.zeros_like(cn_ref)
        cd_ref[...] = jnp.zeros_like(cd_ref)

    h4 = h_ref[...]
    h = jnp.concatenate(
        [h4[:, b, :, :].reshape(rr, _LN) for b in range(seg)], axis=1)
    decay = jnp.exp(-jnp.exp(td_ref[...]))

    rkv = lax.dot_general(h, wrkv_ref[...], _NT,
                          preferred_element_type=jnp.float32)
    r = jax.nn.sigmoid(rkv[:, :dd])
    k = rkv[:, dd:2 * dd]
    v = rkv[:, 2 * dd:]
    ek = jnp.exp(jnp.clip(k, -30.0, 30.0))

    a_ref[...] = ek * v
    b_ref[...] = ek

    unroll = 16

    def _step(t, carry):
        st_n, st_d = carry
        base = t * unroll
        for j in range(unroll):
            st_n = decay * st_n + a_ref[pl.ds(base + j, 1), :]
            st_d = decay * st_d + b_ref[pl.ds(base + j, 1), :]
            a_ref[pl.ds(base + j, 1), :] = st_n
            b_ref[pl.ds(base + j, 1), :] = st_d
        return st_n, st_d

    st = lax.fori_loop(0, rr // unroll, _step,
                       (cn_ref[...], cd_ref[...]))
    cn_ref[...] = st[0]
    cd_ref[...] = st[1]
    wkv = a_ref[...] / (b_ref[...] + 1e-6)

    h2 = h + lax.dot_general(r * wkv, wo_ref[...], _NT,
                             preferred_element_type=jnp.float32)

    q = lax.dot_general(h2, wc_ref[...], _NT,
                        preferred_element_type=jnp.float32)
    c_dim = q.shape[1]
    scores = lax.dot_general(q, mk_ref[...], _TT,
                             preferred_element_type=jnp.float32)
    scores = scores * jnp.float32(1.0 / (c_dim ** 0.5))

    col = lax.broadcasted_iota(jnp.int32, (rr, cap), 1)
    m1 = jnp.max(scores, axis=1, keepdims=True)
    i1 = jnp.min(jnp.where(scores == m1, col, cap), axis=1, keepdims=True)
    masked = jnp.where(col == i1, jnp.float32(-jnp.inf), scores)
    m2 = jnp.max(masked, axis=1, keepdims=True)
    i2 = jnp.min(jnp.where(masked == m2, col, cap), axis=1, keepdims=True)
    e2 = jnp.exp(m2 - m1)
    w1 = 1.0 / (1.0 + e2)
    w2 = e2 / (1.0 + e2)
    wsel = jnp.where(col == i1, w1, 0.0) + jnp.where(col == i2, w2, 0.0)

    read = jnp.dot(wsel, mv_ref[...], preferred_element_type=jnp.float32)
    h3 = h2 + jnp.dot(read.astype(jnp.bfloat16), wd_ref[...],
                      preferred_element_type=jnp.float32)
    outt = lax.dot_general(wout_ref[...], h3.astype(jnp.bfloat16),
                           (((1,), (1,)), ((), ())),
                           preferred_element_type=jnp.float32)
    out_ref[...] = (outt + bout_ref[...]).reshape(1, outt.shape[0],
                                                  outt.shape[1])


def _tc_forward(h4, d, td, wr, wk, wv, wo, mem_keys, mem_values, wc, wd,
                w_out, b_out, chunks_per_batch):
    seg = d // _LN
    n_tok = h4.shape[0] // seg
    cap, c = mem_keys.shape
    vocab = w_out.shape[1]
    n_chunks = n_tok // _R
    h4 = h4.reshape(n_tok // 8, seg, 8, _LN)

    fixed = lambda i: (0, 0)
    call = pl.pallas_call(
        functools.partial(_mega_body, chunks_per_batch, cap),
        grid=(n_chunks,),
        in_specs=[
            pl.BlockSpec((_R // 8, seg, 8, _LN), lambda i: (i, 0, 0, 0)),
            pl.BlockSpec((1, d), fixed),
            pl.BlockSpec((d, 3 * d), fixed),
            pl.BlockSpec((d, d), fixed),
            pl.BlockSpec((cap, c), fixed),
            pl.BlockSpec((cap, c), fixed),
            pl.BlockSpec((d, c), fixed),
            pl.BlockSpec((c, d), fixed),
            pl.BlockSpec((vocab, d), fixed),
            pl.BlockSpec((vocab, 1), fixed),
        ],
        out_specs=pl.BlockSpec(
            (1, vocab, _R),
            lambda i: (i // chunks_per_batch, 0, i % chunks_per_batch)),
        out_shape=jax.ShapeDtypeStruct(
            (n_tok // (chunks_per_batch * _R), vocab,
             chunks_per_batch * _R), jnp.float32),
        scratch_shapes=[
            pltpu.VMEM((1, d), jnp.float32),
            pltpu.VMEM((1, d), jnp.float32),
            pltpu.VMEM((_R, d), jnp.float32),
            pltpu.VMEM((_R, d), jnp.float32),
        ],
        compiler_params=pltpu.CompilerParams(
            dimension_semantics=("arbitrary",),
        ),
    )
    wrkv = jnp.concatenate([wr, wk, wv], axis=1)
    return call(h4, td, wrkv, wo, mem_keys, mem_values, wc,
                wd.astype(jnp.bfloat16), w_out.T.astype(jnp.bfloat16),
                b_out.reshape(-1, 1))


def kernel(x, embed_table, time_decay, Wr, Wk, Wv, Wo, mem_keys, mem_values,
           Wc, Wd, W_out, b_out):
    b, s = x.shape
    vocab = W_out.shape[1]
    d = embed_table.shape[1]
    x_flat = x.reshape(-1).astype(jnp.int32)
    h4 = _embed_gather(x_flat, embed_table)
    out = _tc_forward(h4, d, time_decay.reshape(1, -1), Wr, Wk, Wv, Wo,
                      mem_keys, mem_values, Wc, Wd, W_out,
                      b_out, chunks_per_batch=s // _R)
    return out.swapaxes(1, 2)

# --- scband reference (transcript-rebuilt; emitter-appended) ---
"""Pipeline reference for scband-infinite-context-model-66116726555315 (READ-ONLY COPY).

The authoritative reference and input builder live on the scoring server;
editing this copy changes nothing except your own understanding.
"""

import jax, jax.numpy as jnp
import numpy as np


def setup_inputs(seed: int = 0) -> dict:
    key = jax.random.key(seed)
    ks = jax.random.split(key, 13)
    V, D = 1000, 768
    C = D // 2
    CAP = 50
    B, S = 2, 2048
    s = lambda d: 1.0 / np.sqrt(d)
    return {
        "x": jax.random.randint(ks[0], (B, S), 0, V),
        "embed_table": jax.random.normal(ks[1], (V, D), dtype=jnp.float32) * 0.02,
        "time_decay": jax.random.normal(ks[2], (D,), dtype=jnp.float32) * 0.1,
        "Wr": jax.random.normal(ks[3], (D, D), dtype=jnp.float32) * s(D),
        "Wk": jax.random.normal(ks[4], (D, D), dtype=jnp.float32) * s(D),
        "Wv": jax.random.normal(ks[5], (D, D), dtype=jnp.float32) * s(D),
        "Wo": jax.random.normal(ks[6], (D, D), dtype=jnp.float32) * s(D),
        "mem_keys": jax.random.normal(ks[7], (CAP, C), dtype=jnp.float32),
        "mem_values": jax.random.normal(ks[8], (CAP, C), dtype=jnp.float32),
        "Wc": jax.random.normal(ks[9], (D, C), dtype=jnp.float32) * s(D),
        "Wd": jax.random.normal(ks[10], (C, D), dtype=jnp.float32) * s(C),
        "W_out": jax.random.normal(ks[11], (D, V), dtype=jnp.float32) * s(D),
        "b_out": jnp.zeros((V,), dtype=jnp.float32),
    }


def reference(x, embed_table, time_decay, Wr, Wk, Wv, Wo, mem_keys, mem_values, Wc, Wd, W_out, b_out):
    B, S = x.shape
    D = embed_table.shape[1]
    C = mem_keys.shape[1]
    # 1) embedding lookup
    h = jnp.take(embed_table, x, axis=0)  # [B, S, D]
    # 2) RWKVLoop: channel-wise linear-attention recurrence (wkv) with receptance gate
    r = jax.nn.sigmoid(h @ Wr)
    k = h @ Wk
    v = h @ Wv
    decay = jnp.exp(-jnp.exp(time_decay))  # per-channel decay in (0,1)
    ek = jnp.exp(jnp.clip(k, -30.0, 30.0))
    a_seq = jnp.moveaxis(ek * v, 1, 0)  # [S, B, D]
    b_seq = jnp.moveaxis(ek, 1, 0)      # [S, B, D]

    def step(carry, inp):
        num, den = carry
        a_t, b_t = inp
        num = decay * num + a_t
        den = decay * den + b_t
        return (num, den), num / (den + 1e-6)

    init = (jnp.zeros((B, D), a_seq.dtype), jnp.zeros((B, D), a_seq.dtype))
    _, wkv = jax.lax.scan(step, init, (a_seq, b_seq))
    wkv = jnp.moveaxis(wkv, 0, 1)  # [B, S, D]
    h = h + (r * wkv) @ Wo
    # 3) LinkSlotAttention over HierarchicalMemory: compress query, top-k=2 slot retrieval,
    #    softmax over retrieved slot scores, read compressed values, decompress, residual add
    q = h @ Wc  # [B, S, C]
    scores = (q @ mem_keys.T) / jnp.sqrt(jnp.float32(C))  # [B, S, CAP]
    top_vals, top_idx = jax.lax.top_k(scores, 2)  # [B, S, 2]
    w = jax.nn.softmax(top_vals, axis=-1)
    gathered = jnp.take(mem_values, top_idx, axis=0)  # [B, S, 2, C]
    read = jnp.sum(w[..., None] * gathered, axis=-2)  # [B, S, C]
    h = h + read @ Wd
    # 4) output projection to vocab
    return h @ W_out + b_out

if __name__ == "__main__":
    import jax
    _d = setup_inputs()
    print(jax.jit(kernel)(*tuple(_d.values())))

</pallas_src>

<mosaic_0001>
#map = affine_map<(d0, d1) -> (0)>
#map1 = affine_map<(d0, d1) -> (0, 0)>
module attributes {stable_mosaic.version = 14 : i64} {
  func.func @gather_kernel(%arg0: i32, %arg1: i32, %arg2: memref<24576xi32, #tpu.memory_space<hbm>>, %arg3: memref<6000x128xf32, #tpu.memory_space<hbm>>, %arg4: memref<24576x128xf32, #tpu.memory_space<hbm>>, %arg5: memref<6x128xi32, #tpu.memory_space<vmem>>, %arg6: memref<768x128xf32, #tpu.memory_space<vmem>>, %arg7: memref<!tpu.dma_semaphore, #tpu.memory_space<semaphore_mem>>) attributes {dimension_semantics = [#tpu.dimension_semantics<core_parallel>, #tpu.dimension_semantics<subcore_parallel>], iteration_bounds = array<i64: 2, 16>, scalar_prefetch = 0 : i64, scratch_operands = 3 : i64, tpu.core_type = #tpu.core_type<sc_vector_subcore>, window_params = [{transform_indices = #map}, {transform_indices = #map1}, {transform_indices = #map1}]} {
    %mul3A = arith.constant 2 : i32
    %mul3A_0 = arith.muli %arg1, %mul3A : i32
    %add3A = arith.addi %mul3A_0, %arg0 : i32
    %mul3A_1 = arith.constant 768 : i32
    %mul3A_2 = arith.muli %add3A, %mul3A_1 : i32
    %add3A_3 = arith.constant 0 : i32
    %add3A_4 = arith.addi %mul3A_2, %add3A_3 : i32
    %run_scoped3A = arith.constant 0 : i32
    "tpu.region"() ({
      %run_scoped3A_138 = tpu.sem_alloc : memref<!tpu.dma_semaphore, #tpu.memory_space<semaphore_mem>>
      %dma_start3A_139 = arith.constant 0 : i32
      %dma_start3A_140 = tpu.memref_slice %arg5[%run_scoped3A, %dma_start3A_139] : memref<6x128xi32, #tpu.memory_space<vmem>> -> memref<1x128xi32, #tpu.memory_space<vmem>>
      %dma_start3A_141 = tpu.memref_squeeze %dma_start3A_140 : memref<1x128xi32, #tpu.memory_space<vmem>> -> memref<128xi32, #tpu.memory_space<vmem>>
      %dma_start3A_142 = tpu.memref_slice %arg2[%add3A_4] : memref<24576xi32, #tpu.memory_space<hbm>> -> memref<128xi32, #tpu.memory_space<hbm>>
      %dma_start3A_143 = arith.constant 0 : i32
      %dma_start3A_144 = tpu.memref_slice %arg5[%run_scoped3A, %dma_start3A_143] : memref<6x128xi32, #tpu.memory_space<vmem>> -> memref<1x128xi32, #tpu.memory_space<vmem>>
      %dma_start3A_145 = tpu.memref_squeeze %dma_start3A_144 : memref<1x128xi32, #tpu.memory_space<vmem>> -> memref<128xi32, #tpu.memory_space<vmem>>
      %dma_start3A_146 = tpu.memref_slice %arg2[%add3A_4] : memref<24576xi32, #tpu.memory_space<hbm>> -> memref<128xi32, #tpu.memory_space<hbm>>
      tpu.enqueue_dma source(%dma_start3A_146 : memref<128xi32, #tpu.memory_space<hbm>>) target(%dma_start3A_145 : memref<128xi32, #tpu.memory_space<vmem>>) target_semaphore(%run_scoped3A_138 : memref<!tpu.dma_semaphore, #tpu.memory_space<semaphore_mem>>)
      %dma_wait3A_147 = arith.constant 0 : i32
      %dma_wait3A_148 = tpu.memref_slice %arg5[%run_scoped3A, %dma_wait3A_147] : memref<6x128xi32, #tpu.memory_space<vmem>> -> memref<1x128xi32, #tpu.memory_space<vmem>>
      %dma_wait3A_149 = tpu.memref_squeeze %dma_wait3A_148 : memref<1x128xi32, #tpu.memory_space<vmem>> -> memref<128xi32, #tpu.memory_space<vmem>>
      %dma_wait3A_150 = tpu.memref_slice %arg2[%add3A_4] : memref<24576xi32, #tpu.memory_space<hbm>> -> memref<128xi32, #tpu.memory_space<hbm>>
      %dma_wait3A_151 = arith.constant 0 : i32
      %dma_wait3A_152 = tpu.memref_slice %arg5[%run_scoped3A, %dma_wait3A_151] : memref<6x128xi32, #tpu.memory_space<vmem>> -> memref<1x128xi32, #tpu.memory_space<vmem>>
      %dma_wait3A_153 = tpu.memref_squeeze %dma_wait3A_152 : memref<1x128xi32, #tpu.memory_space<vmem>> -> memref<128xi32, #tpu.memory_space<vmem>>
      %dma_wait3A_154 = tpu.memref_slice %arg2[%add3A_4] : memref<24576xi32, #tpu.memory_space<hbm>> -> memref<128xi32, #tpu.memory_space<hbm>>
      tpu.wait_dma2 semaphore(%run_scoped3A_138 : memref<!tpu.dma_semaphore, #tpu.memory_space<semaphore_mem>>) src(%dma_wait3A_154 : memref<128xi32, #tpu.memory_space<hbm>>) dst(%dma_wait3A_153 : memref<128xi32, #tpu.memory_space<vmem>>)
      tpu.yield
    }) : () -> ()
    %add3A_5 = arith.constant 128 : i32
    %add3A_6 = arith.addi %mul3A_2, %add3A_5 : i32
    %run_scoped3A_7 = arith.constant 1 : i32
    "tpu.region"() ({
      %run_scoped3A_138 = tpu.sem_alloc : memref<!tpu.dma_semaphore, #tpu.memory_space<semaphore_mem>>
      %dma_start3A_139 = arith.constant 0 : i32
      %dma_start3A_140 = tpu.memref_slice %arg5[%run_scoped3A_7, %dma_start3A_139] : memref<6x128xi32, #tpu.memory_space<vmem>> -> memref<1x128xi32, #tpu.memory_space<vmem>>
      %dma_start3A_141 = tpu.memref_squeeze %dma_start3A_140 : memref<1x128xi32, #tpu.memory_space<vmem>> -> memref<128xi32, #tpu.memory_space<vmem>>
      %dma_start3A_142 = tpu.memref_slice %arg2[%add3A_6] : memref<24576xi32, #tpu.memory_space<hbm>> -> memref<128xi32, #tpu.memory_space<hbm>>
      %dma_start3A_143 = arith.constant 0 : i32
      %dma_start3A_144 = tpu.memref_slice %arg5[%run_scoped3A_7, %dma_start3A_143] : memref<6x128xi32, #tpu.memory_space<vmem>> -> memref<1x128xi32, #tpu.memory_space<vmem>>
      %dma_start3A_145 = tpu.memref_squeeze %dma_start3A_144 : memref<1x128xi32, #tpu.memory_space<vmem>> -> memref<128xi32, #tpu.memory_space<vmem>>
      %dma_start3A_146 = tpu.memref_slice %arg2[%add3A_6] : memref<24576xi32, #tpu.memory_space<hbm>> -> memref<128xi32, #tpu.memory_space<hbm>>
      tpu.enqueue_dma source(%dma_start3A_146 : memref<128xi32, #tpu.memory_space<hbm>>) target(%dma_start3A_145 : memref<128xi32, #tpu.memory_space<vmem>>) target_semaphore(%run_scoped3A_138 : memref<!tpu.dma_semaphore, #tpu.memory_space<semaphore_mem>>)
      %dma_wait3A_147 = arith.constant 0 : i32
      %dma_wait3A_148 = tpu.memref_slice %arg5[%run_scoped3A_7, %dma_wait3A_147] : memref<6x128xi32, #tpu.memory_space<vmem>> -> memref<1x128xi32, #tpu.memory_space<vmem>>
      %dma_wait3A_149 = tpu.memref_squeeze %dma_wait3A_148 : memref<1x128xi32, #tpu.memory_space<vmem>> -> memref<128xi32, #tpu.memory_space<vmem>>
      %dma_wait3A_150 = tpu.memref_slice %arg2[%add3A_6] : memref<24576xi32, #tpu.memory_space<hbm>> -> memref<128xi32, #tpu.memory_space<hbm>>
      %dma_wait3A_151 = arith.constant 0 : i32
      %dma_wait3A_152 = tpu.memref_slice %arg5[%run_scoped3A_7, %dma_wait3A_151] : memref<6x128xi32, #tpu.memory_space<vmem>> -> memref<1x128xi32, #tpu.memory_space<vmem>>
      %dma_wait3A_153 = tpu.memref_squeeze %dma_wait3A_152 : memref<1x128xi32, #tpu.memory_space<vmem>> -> memref<128xi32, #tpu.memory_space<vmem>>
      %dma_wait3A_154 = tpu.memref_slice %arg2[%add3A_6] : memref<24576xi32, #tpu.memory_space<hbm>> -> memref<128xi32, #tpu.memory_space<hbm>>
      tpu.wait_dma2 semaphore(%run_scoped3A_138 : memref<!tpu.dma_semaphore, #tpu.memory_space<semaphore_mem>>) src(%dma_wait3A_154 : memref<128xi32, #tpu.memory_space<hbm>>) dst(%dma_wait3A_153 : memref<128xi32, #tpu.memory_space<vmem>>)
      tpu.yield
    }) : () -> ()
    %add3A_8 = arith.constant 256 : i32
    %add3A_9 = arith.addi %mul3A_2, %add3A_8 : i32
    %run_scoped3A_10 = arith.constant 2 : i32
    "tpu.region"() ({
      %run_scoped3A_138 = tpu.sem_alloc : memref<!tpu.dma_semaphore, #tpu.memory_space<semaphore_mem>>
      %dma_start3A_139 = arith.constant 0 : i32
      %dma_start3A_140 = tpu.memref_slice %arg5[%run_scoped3A_10, %dma_start3A_139] : memref<6x128xi32, #tpu.memory_space<vmem>> -> memref<1x128xi32, #tpu.memory_space<vmem>>
      %dma_start3A_141 = tpu.memref_squeeze %dma_start3A_140 : memref<1x128xi32, #tpu.memory_space<vmem>> -> memref<128xi32, #tpu.memory_space<vmem>>
      %dma_start3A_142 = tpu.memref_slice %arg2[%add3A_9] : memref<24576xi32, #tpu.memory_space<hbm>> -> memref<128xi32, #tpu.memory_space<hbm>>
      %dma_start3A_143 = arith.constant 0 : i32
      %dma_start3A_144 = tpu.memref_slice %arg5[%run_scoped3A_10, %dma_start3A_143] : memref<6x128xi32, #tpu.memory_space<vmem>> -> memref<1x128xi32, #tpu.memory_space<vmem>>
      %dma_start3A_145 = tpu.memref_squeeze %dma_start3A_144 : memref<1x128xi32, #tpu.memory_space<vmem>> -> memref<128xi32, #tpu.memory_space<vmem>>
      %dma_start3A_146 = tpu.memref_slice %arg2[%add3A_9] : memref<24576xi32, #tpu.memory_space<hbm>> -> memref<128xi32, #tpu.memory_space<hbm>>
      tpu.enqueue_dma source(%dma_start3A_146 : memref<128xi32, #tpu.memory_space<hbm>>) target(%dma_start3A_145 : memref<128xi32, #tpu.memory_space<vmem>>) target_semaphore(%run_scoped3A_138 : memref<!tpu.dma_semaphore, #tpu.memory_space<semaphore_mem>>)
      %dma_wait3A_147 = arith.constant 0 : i32
      %dma_wait3A_148 = tpu.memref_slice %arg5[%run_scoped3A_10, %dma_wait3A_147] : memref<6x128xi32, #tpu.memory_space<vmem>> -> memref<1x128xi32, #tpu.memory_space<vmem>>
      %dma_wait3A_149 = tpu.memref_squeeze %dma_wait3A_148 : memref<1x128xi32, #tpu.memory_space<vmem>> -> memref<128xi32, #tpu.memory_space<vmem>>
      %dma_wait3A_150 = tpu.memref_slice %arg2[%add3A_9] : memref<24576xi32, #tpu.memory_space<hbm>> -> memref<128xi32, #tpu.memory_space<hbm>>
      %dma_wait3A_151 = arith.constant 0 : i32
      %dma_wait3A_152 = tpu.memref_slice %arg5[%run_scoped3A_10, %dma_wait3A_151] : memref<6x128xi32, #tpu.memory_space<vmem>> -> memref<1x128xi32, #tpu.memory_space<vmem>>
      %dma_wait3A_153 = tpu.memref_squeeze %dma_wait3A_152 : memref<1x128xi32, #tpu.memory_space<vmem>> -> memref<128xi32, #tpu.memory_space<vmem>>
      %dma_wait3A_154 = tpu.memref_slice %arg2[%add3A_9] : memref<24576xi32, #tpu.memory_space<hbm>> -> memref<128xi32, #tpu.memory_space<hbm>>
      tpu.wait_dma2 semaphore(%run_scoped3A_138 : memref<!tpu.dma_semaphore, #tpu.memory_space<semaphore_mem>>) src(%dma_wait3A_154 : memref<128xi32, #tpu.memory_space<hbm>>) dst(%dma_wait3A_153 : memref<128xi32, #tpu.memory_space<vmem>>)
      tpu.yield
    }) : () -> ()
    %add3A_11 = arith.constant 384 : i32
    %add3A_12 = arith.addi %mul3A_2, %add3A_11 : i32
    %run_scoped3A_13 = arith.constant 3 : i32
    "tpu.region"() ({
      %run_scoped3A_138 = tpu.sem_alloc : memref<!tpu.dma_semaphore, #tpu.memory_space<semaphore_mem>>
      %dma_start3A_139 = arith.constant 0 : i32
      %dma_start3A_140 = tpu.memref_slice %arg5[%run_scoped3A_13, %dma_start3A_139] : memref<6x128xi32, #tpu.memory_space<vmem>> -> memref<1x128xi32, #tpu.memory_space<vmem>>
      %dma_start3A_141 = tpu.memref_squeeze %dma_start3A_140 : memref<1x128xi32, #tpu.memory_space<vmem>> -> memref<128xi32, #tpu.memory_space<vmem>>
      %dma_start3A_142 = tpu.memref_slice %arg2[%add3A_12] : memref<24576xi32, #tpu.memory_space<hbm>> -> memref<128xi32, #tpu.memory_space<hbm>>
      %dma_start3A_143 = arith.constant 0 : i32
      %dma_start3A_144 = tpu.memref_slice %arg5[%run_scoped3A_13, %dma_start3A_143] : memref<6x128xi32, #tpu.memory_space<vmem>> -> memref<1x128xi32, #tpu.memory_space<vmem>>
      %dma_start3A_145 = tpu.memref_squeeze %dma_start3A_144 : memref<1x128xi32, #tpu.memory_space<vmem>> -> memref<128xi32, #tpu.memory_space<vmem>>
      %dma_start3A_146 = tpu.memref_slice %arg2[%add3A_12] : memref<24576xi32, #tpu.memory_space<hbm>> -> memref<128xi32, #tpu.memory_space<hbm>>
      tpu.enqueue_dma source(%dma_start3A_146 : memref<128xi32, #tpu.memory_space<hbm>>) target(%dma_start3A_145 : memref<128xi32, #tpu.memory_space<vmem>>) target_semaphore(%run_scoped3A_138 : memref<!tpu.dma_semaphore, #tpu.memory_space<semaphore_mem>>)
      %dma_wait3A_147 = arith.constant 0 : i32
      %dma_wait3A_148 = tpu.memref_slice %arg5[%run_scoped3A_13, %dma_wait3A_147] : memref<6x128xi32, #tpu.memory_space<vmem>> -> memref<1x128xi32, #tpu.memory_space<vmem>>
      %dma_wait3A_149 = tpu.memref_squeeze %dma_wait3A_148 : memref<1x128xi32, #tpu.memory_space<vmem>> -> memref<128xi32, #tpu.memory_space<vmem>>
      %dma_wait3A_150 = tpu.memref_slice %arg2[%add3A_12] : memref<24576xi32, #tpu.memory_space<hbm>> -> memref<128xi32, #tpu.memory_space<hbm>>
      %dma_wait3A_151 = arith.constant 0 : i32
      %dma_wait3A_152 = tpu.memref_slice %arg5[%run_scoped3A_13, %dma_wait3A_151] : memref<6x128xi32, #tpu.memory_space<vmem>> -> memref<1x128xi32, #tpu.memory_space<vmem>>
      %dma_wait3A_153 = tpu.memref_squeeze %dma_wait3A_152 : memref<1x128xi32, #tpu.memory_space<vmem>> -> memref<128xi32, #tpu.memory_space<vmem>>
      %dma_wait3A_154 = tpu.memref_slice %arg2[%add3A_12] : memref<24576xi32, #tpu.memory_space<hbm>> -> memref<128xi32, #tpu.memory_space<hbm>>
      tpu.wait_dma2 semaphore(%run_scoped3A_138 : memref<!tpu.dma_semaphore, #tpu.memory_space<semaphore_mem>>) src(%dma_wait3A_154 : memref<128xi32, #tpu.memory_space<hbm>>) dst(%dma_wait3A_153 : memref<128xi32, #tpu.memory_space<vmem>>)
      tpu.yield
    }) : () -> ()
    %add3A_14 = arith.constant 512 : i32
    %add3A_15 = arith.addi %mul3A_2, %add3A_14 : i32
    %run_scoped3A_16 = arith.constant 4 : i32
    "tpu.region"() ({
      %run_scoped3A_138 = tpu.sem_alloc : memref<!tpu.dma_semaphore, #tpu.memory_space<semaphore_mem>>
      %dma_start3A_139 = arith.constant 0 : i32
      %dma_start3A_140 = tpu.memref_slice %arg5[%run_scoped3A_16, %dma_start3A_139] : memref<6x128xi32, #tpu.memory_space<vmem>> -> memref<1x128xi32, #tpu.memory_space<vmem>>
      %dma_start3A_141 = tpu.memref_squeeze %dma_start3A_140 : memref<1x128xi32, #tpu.memory_space<vmem>> -> memref<128xi32, #tpu.memory_space<vmem>>
      %dma_start3A_142 = tpu.memref_slice %arg2[%add3A_15] : memref<24576xi32, #tpu.memory_space<hbm>> -> memref<128xi32, #tpu.memory_space<hbm>>
      %dma_start3A_143 = arith.constant 0 : i32
      %dma_start3A_144 = tpu.memref_slice %arg5[%run_scoped3A_16, %dma_start3A_143] : memref<6x128xi32, #tpu.memory_space<vmem>> -> memref<1x128xi32, #tpu.memory_space<vmem>>
      %dma_start3A_145 = tpu.memref_squeeze %dma_start3A_144 : memref<1x128xi32, #tpu.memory_space<vmem>> -> memref<128xi32, #tpu.memory_space<vmem>>
      %dma_start3A_146 = tpu.memref_slice %arg2[%add3A_15] : memref<24576xi32, #tpu.memory_space<hbm>> -> memref<128xi32, #tpu.memory_space<hbm>>
      tpu.enqueue_dma source(%dma_start3A_146 : memref<128xi32, #tpu.memory_space<hbm>>) target(%dma_start3A_145 : memref<128xi32, #tpu.memory_space<vmem>>) target_semaphore(%run_scoped3A_138 : memref<!tpu.dma_semaphore, #tpu.memory_space<semaphore_mem>>)
      %dma_wait3A_147 = arith.constant 0 : i32
      %dma_wait3A_148 = tpu.memref_slice %arg5[%run_scoped3A_16, %dma_wait3A_147] : memref<6x128xi32, #tpu.memory_space<vmem>> -> memref<1x128xi32, #tpu.memory_space<vmem>>
      %dma_wait3A_149 = tpu.memref_squeeze %dma_wait3A_148 : memref<1x128xi32, #tpu.memory_space<vmem>> -> memref<128xi32, #tpu.memory_space<vmem>>
      %dma_wait3A_150 = tpu.memref_slice %arg2[%add3A_15] : memref<24576xi32, #tpu.memory_space<hbm>> -> memref<128xi32, #tpu.memory_space<hbm>>
      %dma_wait3A_151 = arith.constant 0 : i32
      %dma_wait3A_152 = tpu.memref_slice %arg5[%run_scoped3A_16, %dma_wait3A_151] : memref<6x128xi32, #tpu.memory_space<vmem>> -> memref<1x128xi32, #tpu.memory_space<vmem>>
      %dma_wait3A_153 = tpu.memref_squeeze %dma_wait3A_152 : memref<1x128xi32, #tpu.memory_space<vmem>> -> memref<128xi32, #tpu.memory_space<vmem>>
      %dma_wait3A_154 = tpu.memref_slice %arg2[%add3A_15] : memref<24576xi32, #tpu.memory_space<hbm>> -> memref<128xi32, #tpu.memory_space<hbm>>
      tpu.wait_dma2 semaphore(%run_scoped3A_138 : memref<!tpu.dma_semaphore, #tpu.memory_space<semaphore_mem>>) src(%dma_wait3A_154 : memref<128xi32, #tpu.memory_space<hbm>>) dst(%dma_wait3A_153 : memref<128xi32, #tpu.memory_space<vmem>>)
      tpu.yield
    }) : () -> ()
    %add3A_17 = arith.constant 640 : i32
    %add3A_18 = arith.addi %mul3A_2, %add3A_17 : i32
    %run_scoped3A_19 = arith.constant 5 : i32
    "tpu.region"() ({
      %run_scoped3A_138 = tpu.sem_alloc : memref<!tpu.dma_semaphore, #tpu.memory_space<semaphore_mem>>
      %dma_start3A_139 = arith.constant 0 : i32
      %dma_start3A_140 = tpu.memref_slice %arg5[%run_scoped3A_19, %dma_start3A_139] : memref<6x128xi32, #tpu.memory_space<vmem>> -> memref<1x128xi32, #tpu.memory_space<vmem>>
      %dma_start3A_141 = tpu.memref_squeeze %dma_start3A_140 : memref<1x128xi32, #tpu.memory_space<vmem>> -> memref<128xi32, #tpu.memory_space<vmem>>
      %dma_start3A_142 = tpu.memref_slice %arg2[%add3A_18] : memref<24576xi32, #tpu.memory_space<hbm>> -> memref<128xi32, #tpu.memory_space<hbm>>
      %dma_start3A_143 = arith.constant 0 : i32
      %dma_start3A_144 = tpu.memref_slice %arg5[%run_scoped3A_19, %dma_start3A_143] : memref<6x128xi32, #tpu.memory_space<vmem>> -> memref<1x128xi32, #tpu.memory_space<vmem>>
      %dma_start3A_145 = tpu.memref_squeeze %dma_start3A_144 : memref<1x128xi32, #tpu.memory_space<vmem>> -> memref<128xi32, #tpu.memory_space<vmem>>
      %dma_start3A_146 = tpu.memref_slice %arg2[%add3A_18] : memref<24576xi32, #tpu.memory_space<hbm>> -> memref<128xi32, #tpu.memory_space<hbm>>
      tpu.enqueue_dma source(%dma_start3A_146 : memref<128xi32, #tpu.memory_space<hbm>>) target(%dma_start3A_145 : memref<128xi32, #tpu.memory_space<vmem>>) target_semaphore(%run_scoped3A_138 : memref<!tpu.dma_semaphore, #tpu.memory_space<semaphore_mem>>)
      %dma_wait3A_147 = arith.constant 0 : i32
      %dma_wait3A_148 = tpu.memref_slice %arg5[%run_scoped3A_19, %dma_wait3A_147] : memref<6x128xi32, #tpu.memory_space<vmem>> -> memref<1x128xi32, #tpu.memory_space<vmem>>
      %dma_wait3A_149 = tpu.memref_squeeze %dma_wait3A_148 : memref<1x128xi32, #tpu.memory_space<vmem>> -> memref<128xi32, #tpu.memory_space<vmem>>
      %dma_wait3A_150 = tpu.memref_slice %arg2[%add3A_18] : memref<24576xi32, #tpu.memory_space<hbm>> -> memref<128xi32, #tpu.memory_space<hbm>>
      %dma_wait3A_151 = arith.constant 0 : i32
      %dma_wait3A_152 = tpu.memref_slice %arg5[%run_scoped3A_19, %dma_wait3A_151] : memref<6x128xi32, #tpu.memory_space<vmem>> -> memref<1x128xi32, #tpu.memory_space<vmem>>
      %dma_wait3A_153 = tpu.memref_squeeze %dma_wait3A_152 : memref<1x128xi32, #tpu.memory_space<vmem>> -> memref<128xi32, #tpu.memory_space<vmem>>
      %dma_wait3A_154 = tpu.memref_slice %arg2[%add3A_18] : memref<24576xi32, #tpu.memory_space<hbm>> -> memref<128xi32, #tpu.memory_space<hbm>>
      tpu.wait_dma2 semaphore(%run_scoped3A_138 : memref<!tpu.dma_semaphore, #tpu.memory_space<semaphore_mem>>) src(%dma_wait3A_154 : memref<128xi32, #tpu.memory_space<hbm>>) dst(%dma_wait3A_153 : memref<128xi32, #tpu.memory_space<vmem>>)
      tpu.yield
    }) : () -> ()
    %dma_start3A = arith.constant 0 : i32
    %dma_start3A_20 = arith.constant 0 : i32
    %dma_start3A_21 = arith.constant 0 : i32
    %dma_start3A_22 = tpu.memref_slice %arg6[%dma_start3A_20, %dma_start3A_21] : memref<768x128xf32, #tpu.memory_space<vmem>> -> memref<128x128xf32, #tpu.memory_space<vmem>>
    %dma_start3A_23 = arith.constant 0 : i32
    %dma_start3A_24 = tpu.memref_slice %arg5[%dma_start3A, %dma_start3A_23] : memref<6x128xi32, #tpu.memory_space<vmem>> -> memref<1x128xi32, #tpu.memory_space<vmem>>
    %dma_start3A_25 = tpu.memref_squeeze %dma_start3A_24 : memref<1x128xi32, #tpu.memory_space<vmem>> -> memref<128xi32, #tpu.memory_space<vmem>>
    %dma_start3A_26 = arith.constant 0 : i32
    %dma_start3A_27 = arith.constant 0 : i32
    %dma_start3A_28 = tpu.memref_slice %arg3[%dma_start3A_26, %dma_start3A_27] : memref<6000x128xf32, #tpu.memory_space<hbm>> -> memref<6000x128xf32, #tpu.memory_space<hbm>>
    tpu.enqueue_indirect_dma source(%dma_start3A_28 : memref<6000x128xf32, #tpu.memory_space<hbm>>) target(%dma_start3A_22 : memref<128x128xf32, #tpu.memory_space<vmem>>) offsets(%dma_start3A_25 : memref<128xi32, #tpu.memory_space<vmem>>) semaphore(%arg7 : memref<!tpu.dma_semaphore, #tpu.memory_space<semaphore_mem>>)
    %dma_start3A_29 = arith.constant 1 : i32
    %dma_start3A_30 = arith.constant 128 : i32
    %dma_start3A_31 = arith.constant 0 : i32
    %dma_start3A_32 = tpu.memref_slice %arg6[%dma_start3A_30, %dma_start3A_31] : memref<768x128xf32, #tpu.memory_space<vmem>> -> memref<128x128xf32, #tpu.memory_space<vmem>>
    %dma_start3A_33 = arith.constant 0 : i32
    %dma_start3A_34 = tpu.memref_slice %arg5[%dma_start3A_29, %dma_start3A_33] : memref<6x128xi32, #tpu.memory_space<vmem>> -> memref<1x128xi32, #tpu.memory_space<vmem>>
    %dma_start3A_35 = tpu.memref_squeeze %dma_start3A_34 : memref<1x128xi32, #tpu.memory_space<vmem>> -> memref<128xi32, #tpu.memory_space<vmem>>
    %dma_start3A_36 = arith.constant 0 : i32
    %dma_start3A_37 = arith.constant 0 : i32
    %dma_start3A_38 = tpu.memref_slice %arg3[%dma_start3A_36, %dma_start3A_37] : memref<6000x128xf32, #tpu.memory_space<hbm>> -> memref<6000x128xf32, #tpu.memory_space<hbm>>
    tpu.enqueue_indirect_dma source(%dma_start3A_38 : memref<6000x128xf32, #tpu.memory_space<hbm>>) target(%dma_start3A_32 : memref<128x128xf32, #tpu.memory_space<vmem>>) offsets(%dma_start3A_35 : memref<128xi32, #tpu.memory_space<vmem>>) semaphore(%arg7 : memref<!tpu.dma_semaphore, #tpu.memory_space<semaphore_mem>>)
    %dma_start3A_39 = arith.constant 2 : i32
    %dma_start3A_40 = arith.constant 256 : i32
    %dma_start3A_41 = arith.constant 0 : i32
    %dma_start3A_42 = tpu.memref_slice %arg6[%dma_start3A_40, %dma_start3A_41] : memref<768x128xf32, #tpu.memory_space<vmem>> -> memref<128x128xf32, #tpu.memory_space<vmem>>
    %dma_start3A_43 = arith.constant 0 : i32
    %dma_start3A_44 = tpu.memref_slice %arg5[%dma_start3A_39, %dma_start3A_43] : memref<6x128xi32, #tpu.memory_space<vmem>> -> memref<1x128xi32, #tpu.memory_space<vmem>>
    %dma_start3A_45 = tpu.memref_squeeze %dma_start3A_44 : memref<1x128xi32, #tpu.memory_space<vmem>> -> memref<128xi32, #tpu.memory_space<vmem>>
    %dma_start3A_46 = arith.constant 0 : i32
    %dma_start3A_47 = arith.constant 0 : i32
    %dma_start3A_48 = tpu.memref_slice %arg3[%dma_start3A_46, %dma_start3A_47] : memref<6000x128xf32, #tpu.memory_space<hbm>> -> memref<6000x128xf32, #tpu.memory_space<hbm>>
    tpu.enqueue_indirect_dma source(%dma_start3A_48 : memref<6000x128xf32, #tpu.memory_space<hbm>>) target(%dma_start3A_42 : memref<128x128xf32, #tpu.memory_space<vmem>>) offsets(%dma_start3A_45 : memref<128xi32, #tpu.memory_space<vmem>>) semaphore(%arg7 : memref<!tpu.dma_semaphore, #tpu.memory_space<semaphore_mem>>)
    %dma_start3A_49 = arith.constant 3 : i32
    %dma_start3A_50 = arith.constant 384 : i32
    %dma_start3A_51 = arith.constant 0 : i32
    %dma_start3A_52 = tpu.memref_slice %arg6[%dma_start3A_50, %dma_start3A_51] : memref<768x128xf32, #tpu.memory_space<vmem>> -> memref<128x128xf32, #tpu.memory_space<vmem>>
    %dma_start3A_53 = arith.constant 0 : i32
    %dma_start3A_54 = tpu.memref_slice %arg5[%dma_start3A_49, %dma_start3A_53] : memref<6x128xi32, #tpu.memory_space<vmem>> -> memref<1x128xi32, #tpu.memory_space<vmem>>
    %dma_start3A_55 = tpu.memref_squeeze %dma_start3A_54 : memref<1x128xi32, #tpu.memory_space<vmem>> -> memref<128xi32, #tpu.memory_space<vmem>>
    %dma_start3A_56 = arith.constant 0 : i32
    %dma_start3A_57 = arith.constant 0 : i32
    %dma_start3A_58 = tpu.memref_slice %arg3[%dma_start3A_56, %dma_start3A_57] : memref<6000x128xf32, #tpu.memory_space<hbm>> -> memref<6000x128xf32, #tpu.memory_space<hbm>>
    tpu.enqueue_indirect_dma source(%dma_start3A_58 : memref<6000x128xf32, #tpu.memory_space<hbm>>) target(%dma_start3A_52 : memref<128x128xf32, #tpu.memory_space<vmem>>) offsets(%dma_start3A_55 : memref<128xi32, #tpu.memory_space<vmem>>) semaphore(%arg7 : memref<!tpu.dma_semaphore, #tpu.memory_space<semaphore_mem>>)
    %dma_start3A_59 = arith.constant 4 : i32
    %dma_start3A_60 = arith.constant 512 : i32
    %dma_start3A_61 = arith.constant 0 : i32
    %dma_start3A_62 = tpu.memref_slice %arg6[%dma_start3A_60, %dma_start3A_61] : memref<768x128xf32, #tpu.memory_space<vmem>> -> memref<128x128xf32, #tpu.memory_space<vmem>>
    %dma_start3A_63 = arith.constant 0 : i32
    %dma_start3A_64 = tpu.memref_slice %arg5[%dma_start3A_59, %dma_start3A_63] : memref<6x128xi32, #tpu.memory_space<vmem>> -> memref<1x128xi32, #tpu.memory_space<vmem>>
    %dma_start3A_65 = tpu.memref_squeeze %dma_start3A_64 : memref<1x128xi32, #tpu.memory_space<vmem>> -> memref<128xi32, #tpu.memory_space<vmem>>
    %dma_start3A_66 = arith.constant 0 : i32
    %dma_start3A_67 = arith.constant 0 : i32
    %dma_start3A_68 = tpu.memref_slice %arg3[%dma_start3A_66, %dma_start3A_67] : memref<6000x128xf32, #tpu.memory_space<hbm>> -> memref<6000x128xf32, #tpu.memory_space<hbm>>
    tpu.enqueue_indirect_dma source(%dma_start3A_68 : memref<6000x128xf32, #tpu.memory_space<hbm>>) target(%dma_start3A_62 : memref<128x128xf32, #tpu.memory_space<vmem>>) offsets(%dma_start3A_65 : memref<128xi32, #tpu.memory_space<vmem>>) semaphore(%arg7 : memref<!tpu.dma_semaphore, #tpu.memory_space<semaphore_mem>>)
    %dma_start3A_69 = arith.constant 5 : i32
    %dma_start3A_70 = arith.constant 640 : i32
    %dma_start3A_71 = arith.constant 0 : i32
    %dma_start3A_72 = tpu.memref_slice %arg6[%dma_start3A_70, %dma_start3A_71] : memref<768x128xf32, #tpu.memory_space<vmem>> -> memref<128x128xf32, #tpu.memory_space<vmem>>
    %dma_start3A_73 = arith.constant 0 : i32
    %dma_start3A_74 = tpu.memref_slice %arg5[%dma_start3A_69, %dma_start3A_73] : memref<6x128xi32, #tpu.memory_space<vmem>> -> memref<1x128xi32, #tpu.memory_space<vmem>>
    %dma_start3A_75 = tpu.memref_squeeze %dma_start3A_74 : memref<1x128xi32, #tpu.memory_space<vmem>> -> memref<128xi32, #tpu.memory_space<vmem>>
    %dma_start3A_76 = arith.constant 0 : i32
    %dma_start3A_77 = arith.constant 0 : i32
    %dma_start3A_78 = tpu.memref_slice %arg3[%dma_start3A_76, %dma_start3A_77] : memref<6000x128xf32, #tpu.memory_space<hbm>> -> memref<6000x128xf32, #tpu.memory_space<hbm>>
    tpu.enqueue_indirect_dma source(%dma_start3A_78 : memref<6000x128xf32, #tpu.memory_space<hbm>>) target(%dma_start3A_72 : memref<128x128xf32, #tpu.memory_space<vmem>>) offsets(%dma_start3A_75 : memref<128xi32, #tpu.memory_space<vmem>>) semaphore(%arg7 : memref<!tpu.dma_semaphore, #tpu.memory_space<semaphore_mem>>)
    %dma_wait3A = arith.constant 0 : i32
    %dma_wait3A_79 = arith.constant 0 : i32
    %dma_wait3A_80 = arith.constant 0 : i32
    %dma_wait3A_81 = tpu.memref_slice %arg6[%dma_wait3A_79, %dma_wait3A_80] : memref<768x128xf32, #tpu.memory_space<vmem>> -> memref<128x128xf32, #tpu.memory_space<vmem>>
    %dma_wait3A_82 = arith.constant 0 : i32
    %dma_wait3A_83 = tpu.memref_slice %arg5[%dma_wait3A, %dma_wait3A_82] : memref<6x128xi32, #tpu.memory_space<vmem>> -> memref<1x128xi32, #tpu.memory_space<vmem>>
    %dma_wait3A_84 = tpu.memref_squeeze %dma_wait3A_83 : memref<1x128xi32, #tpu.memory_space<vmem>> -> memref<128xi32, #tpu.memory_space<vmem>>
    %dma_wait3A_85 = arith.constant 0 : i32
    %dma_wait3A_86 = arith.constant 0 : i32
    %dma_wait3A_87 = tpu.memref_slice %arg3[%dma_wait3A_85, %dma_wait3A_86] : memref<6000x128xf32, #tpu.memory_space<hbm>> -> memref<6000x128xf32, #tpu.memory_space<hbm>>
    tpu.wait_indirect_dma semaphore(%arg7 : memref<!tpu.dma_semaphore, #tpu.memory_space<semaphore_mem>>) src(%dma_wait3A_87 : memref<6000x128xf32, #tpu.memory_space<hbm>>) dst(%dma_wait3A_81 : memref<128x128xf32, #tpu.memory_space<vmem>>)
    %dma_wait3A_88 = arith.constant 1 : i32
    %dma_wait3A_89 = arith.constant 128 : i32
    %dma_wait3A_90 = arith.constant 0 : i32
    %dma_wait3A_91 = tpu.memref_slice %arg6[%dma_wait3A_89, %dma_wait3A_90] : memref<768x128xf32, #tpu.memory_space<vmem>> -> memref<128x128xf32, #tpu.memory_space<vmem>>
    %dma_wait3A_92 = arith.constant 0 : i32
    %dma_wait3A_93 = tpu.memref_slice %arg5[%dma_wait3A_88, %dma_wait3A_92] : memref<6x128xi32, #tpu.memory_space<vmem>> -> memref<1x128xi32, #tpu.memory_space<vmem>>
    %dma_wait3A_94 = tpu.memref_squeeze %dma_wait3A_93 : memref<1x128xi32, #tpu.memory_space<vmem>> -> memref<128xi32, #tpu.memory_space<vmem>>
    %dma_wait3A_95 = arith.constant 0 : i32
    %dma_wait3A_96 = arith.constant 0 : i32
    %dma_wait3A_97 = tpu.memref_slice %arg3[%dma_wait3A_95, %dma_wait3A_96] : memref<6000x128xf32, #tpu.memory_space<hbm>> -> memref<6000x128xf32, #tpu.memory_space<hbm>>
    tpu.wait_indirect_dma semaphore(%arg7 : memref<!tpu.dma_semaphore, #tpu.memory_space<semaphore_mem>>) src(%dma_wait3A_97 : memref<6000x128xf32, #tpu.memory_space<hbm>>) dst(%dma_wait3A_91 : memref<128x128xf32, #tpu.memory_space<vmem>>)
    %dma_wait3A_98 = arith.constant 2 : i32
    %dma_wait3A_99 = arith.constant 256 : i32
    %dma_wait3A_100 = arith.constant 0 : i32
    %dma_wait3A_101 = tpu.memref_slice %arg6[%dma_wait3A_99, %dma_wait3A_100] : memref<768x128xf32, #tpu.memory_space<vmem>> -> memref<128x128xf32, #tpu.memory_space<vmem>>
    %dma_wait3A_102 = arith.constant 0 : i32
    %dma_wait3A_103 = tpu.memref_slice %arg5[%dma_wait3A_98, %dma_wait3A_102] : memref<6x128xi32, #tpu.memory_space<vmem>> -> memref<1x128xi32, #tpu.memory_space<vmem>>
    %dma_wait3A_104 = tpu.memref_squeeze %dma_wait3A_103 : memref<1x128xi32, #tpu.memory_space<vmem>> -> memref<128xi32, #tpu.memory_space<vmem>>
    %dma_wait3A_105 = arith.constant 0 : i32
    %dma_wait3A_106 = arith.constant 0 : i32
    %dma_wait3A_107 = tpu.memref_slice %arg3[%dma_wait3A_105, %dma_wait3A_106] : memref<6000x128xf32, #tpu.memory_space<hbm>> -> memref<6000x128xf32, #tpu.memory_space<hbm>>
    tpu.wait_indirect_dma semaphore(%arg7 : memref<!tpu.dma_semaphore, #tpu.memory_space<semaphore_mem>>) src(%dma_wait3A_107 : memref<6000x128xf32, #tpu.memory_space<hbm>>) dst(%dma_wait3A_101 : memref<128x128xf32, #tpu.memory_space<vmem>>)
    %dma_wait3A_108 = arith.constant 3 : i32
    %dma_wait3A_109 = arith.constant 384 : i32
    %dma_wait3A_110 = arith.constant 0 : i32
    %dma_wait3A_111 = tpu.memref_slice %arg6[%dma_wait3A_109, %dma_wait3A_110] : memref<768x128xf32, #tpu.memory_space<vmem>> -> memref<128x128xf32, #tpu.memory_space<vmem>>
    %dma_wait3A_112 = arith.constant 0 : i32
    %dma_wait3A_113 = tpu.memref_slice %arg5[%dma_wait3A_108, %dma_wait3A_112] : memref<6x128xi32, #tpu.memory_space<vmem>> -> memref<1x128xi32, #tpu.memory_space<vmem>>
    %dma_wait3A_114 = tpu.memref_squeeze %dma_wait3A_113 : memref<1x128xi32, #tpu.memory_space<vmem>> -> memref<128xi32, #tpu.memory_space<vmem>>
    %dma_wait3A_115 = arith.constant 0 : i32
    %dma_wait3A_116 = arith.constant 0 : i32
    %dma_wait3A_117 = tpu.memref_slice %arg3[%dma_wait3A_115, %dma_wait3A_116] : memref<6000x128xf32, #tpu.memory_space<hbm>> -> memref<6000x128xf32, #tpu.memory_space<hbm>>
    tpu.wait_indirect_dma semaphore(%arg7 : memref<!tpu.dma_semaphore, #tpu.memory_space<semaphore_mem>>) src(%dma_wait3A_117 : memref<6000x128xf32, #tpu.memory_space<hbm>>) dst(%dma_wait3A_111 : memref<128x128xf32, #tpu.memory_space<vmem>>)
    %dma_wait3A_118 = arith.constant 4 : i32
    %dma_wait3A_119 = arith.constant 512 : i32
    %dma_wait3A_120 = arith.constant 0 : i32
    %dma_wait3A_121 = tpu.memref_slice %arg6[%dma_wait3A_119, %dma_wait3A_120] : memref<768x128xf32, #tpu.memory_space<vmem>> -> memref<128x128xf32, #tpu.memory_space<vmem>>
    %dma_wait3A_122 = arith.constant 0 : i32
    %dma_wait3A_123 = tpu.memref_slice %arg5[%dma_wait3A_118, %dma_wait3A_122] : memref<6x128xi32, #tpu.memory_space<vmem>> -> memref<1x128xi32, #tpu.memory_space<vmem>>
    %dma_wait3A_124 = tpu.memref_squeeze %dma_wait3A_123 : memref<1x128xi32, #tpu.memory_space<vmem>> -> memref<128xi32, #tpu.memory_space<vmem>>
    %dma_wait3A_125 = arith.constant 0 : i32
    %dma_wait3A_126 = arith.constant 0 : i32
    %dma_wait3A_127 = tpu.memref_slice %arg3[%dma_wait3A_125, %dma_wait3A_126] : memref<6000x128xf32, #tpu.memory_space<hbm>> -> memref<6000x128xf32, #tpu.memory_space<hbm>>
    tpu.wait_indirect_dma semaphore(%arg7 : memref<!tpu.dma_semaphore, #tpu.memory_space<semaphore_mem>>) src(%dma_wait3A_127 : memref<6000x128xf32, #tpu.memory_space<hbm>>) dst(%dma_wait3A_121 : memref<128x128xf32, #tpu.memory_space<vmem>>)
    %dma_wait3A_128 = arith.constant 5 : i32
    %dma_wait3A_129 = arith.constant 640 : i32
    %dma_wait3A_130 = arith.constant 0 : i32
    %dma_wait3A_131 = tpu.memref_slice %arg6[%dma_wait3A_129, %dma_wait3A_130] : memref<768x128xf32, #tpu.memory_space<vmem>> -> memref<128x128xf32, #tpu.memory_space<vmem>>
    %dma_wait3A_132 = arith.constant 0 : i32
    %dma_wait3A_133 = tpu.memref_slice %arg5[%dma_wait3A_128, %dma_wait3A_132] : memref<6x128xi32, #tpu.memory_space<vmem>> -> memref<1x128xi32, #tpu.memory_space<vmem>>
    %dma_wait3A_134 = tpu.memref_squeeze %dma_wait3A_133 : memref<1x128xi32, #tpu.memory_space<vmem>> -> memref<128xi32, #tpu.memory_space<vmem>>
    %dma_wait3A_135 = arith.constant 0 : i32
    %dma_wait3A_136 = arith.constant 0 : i32
    %dma_wait3A_137 = tpu.memref_slice %arg3[%dma_wait3A_135, %dma_wait3A_136] : memref<6000x128xf32, #tpu.memory_space<hbm>> -> memref<6000x128xf32, #tpu.memory_space<hbm>>
    tpu.wait_indirect_dma semaphore(%arg7 : memref<!tpu.dma_semaphore, #tpu.memory_space<semaphore_mem>>) src(%dma_wait3A_137 : memref<6000x128xf32, #tpu.memory_space<hbm>>) dst(%dma_wait3A_131 : memref<128x128xf32, #tpu.memory_space<vmem>>)
    "tpu.region"() ({
      %run_scoped3A_138 = tpu.sem_alloc : memref<!tpu.dma_semaphore, #tpu.memory_space<semaphore_mem>>
      %dma_start3A_139 = arith.constant 0 : i32
      %dma_start3A_140 = tpu.memref_slice %arg4[%mul3A_2, %dma_start3A_139] : memref<24576x128xf32, #tpu.memory_space<hbm>> -> memref<768x128xf32, #tpu.memory_space<hbm>>
      %dma_start3A_141 = arith.constant 0 : i32
      %dma_start3A_142 = tpu.memref_slice %arg4[%mul3A_2, %dma_start3A_141] : memref<24576x128xf32, #tpu.memory_space<hbm>> -> memref<768x128xf32, #tpu.memory_space<hbm>>
      tpu.enqueue_dma source(%arg6 : memref<768x128xf32, #tpu.memory_space<vmem>>) target(%dma_start3A_142 : memref<768x128xf32, #tpu.memory_space<hbm>>) target_semaphore(%run_scoped3A_138 : memref<!tpu.dma_semaphore, #tpu.memory_space<semaphore_mem>>)
      %dma_wait3A_143 = arith.constant 0 : i32
      %dma_wait3A_144 = tpu.memref_slice %arg4[%mul3A_2, %dma_wait3A_143] : memref<24576x128xf32, #tpu.memory_space<hbm>> -> memref<768x128xf32, #tpu.memory_space<hbm>>
      %dma_wait3A_145 = arith.constant 0 : i32
      %dma_wait3A_146 = tpu.memref_slice %arg4[%mul3A_2, %dma_wait3A_145] : memref<24576x128xf32, #tpu.memory_space<hbm>> -> memref<768x128xf32, #tpu.memory_space<hbm>>
      tpu.wait_dma2 semaphore(%run_scoped3A_138 : memref<!tpu.dma_semaphore, #tpu.memory_space<semaphore_mem>>) src(%arg6 : memref<768x128xf32, #tpu.memory_space<vmem>>) dst(%dma_wait3A_146 : memref<768x128xf32, #tpu.memory_space<hbm>>)
      tpu.yield
    }) : () -> ()
    return
  }
}

module attributes {stable_mosaic.version = 14 : i64} {
  func.func @_mega_body(%arg0: i32, %arg1: memref<128x6x8x128xf32, #tpu.memory_space<vmem>>, %arg2: memref<1x768xf32, #tpu.memory_space<vmem>>, %arg3: memref<768x2304xf32, #tpu.memory_space<vmem>>, %arg4: memref<768x768xf32, #tpu.memory_space<vmem>>, %arg5: memref<50x384xf32, #tpu.memory_space<vmem>>, %arg6: memref<50x384xf32, #tpu.memory_space<vmem>>, %arg7: memref<768x384xf32, #tpu.memory_space<vmem>>, %arg8: memref<384x768xbf16, #tpu.memory_space<vmem>>, %arg9: memref<1000x768xbf16, #tpu.memory_space<vmem>>, %arg10: memref<1000x1xf32, #tpu.memory_space<vmem>>, %arg11: memref<1x1000x1024xf32, #tpu.memory_space<vmem>>, %arg12: memref<1x768xf32, #tpu.memory_space<vmem>>, %arg13: memref<1x768xf32, #tpu.memory_space<vmem>>, %arg14: memref<1024x768xf32, #tpu.memory_space<vmem>>, %arg15: memref<1024x768xf32, #tpu.memory_space<vmem>>) attributes {dimension_semantics = [#tpu.dimension_semantics<arbitrary>], iteration_bounds = array<i64: 4>, scalar_prefetch = 0 : i64, scratch_operands = 4 : i64, tpu.core_type = #tpu.core_type<tc>, window_params = [{transform_indices = @transform_0, window_bounds = array<i64: 128, 6, 8, 128>}, {pipeline_mode = #tpu.pipeline_mode<synchronous>, transform_indices = @transform_1, window_bounds = array<i64: 1, 768>}, {pipeline_mode = #tpu.pipeline_mode<synchronous>, transform_indices = @transform_2, window_bounds = array<i64: 768, 2304>}, {pipeline_mode = #tpu.pipeline_mode<synchronous>, transform_indices = @transform_3, window_bounds = array<i64: 768, 768>}, {pipeline_mode = #tpu.pipeline_mode<synchronous>, transform_indices = @transform_4, window_bounds = array<i64: 50, 384>}, {pipeline_mode = #tpu.pipeline_mode<synchronous>, transform_indices = @transform_5, window_bounds = array<i64: 50, 384>}, {pipeline_mode = #tpu.pipeline_mode<synchronous>, transform_indices = @transform_6, window_bounds = array<i64: 768, 384>}, {pipeline_mode = #tpu.pipeline_mode<synchronous>, transform_indices = @transform_7, window_bounds = array<i64: 384, 768>}, {pipeline_mode = #tpu.pipeline_mode<synchronous>, transform_indices = @transform_8, window_bounds = array<i64: 1000, 768>}, {pipeline_mode = #tpu.pipeline_mode<synchronous>, transform_indices = @transform_9, window_bounds = array<i64: 1000, 1>}, {transform_indices = @transform_10, window_bounds = array<i64: 1, 1000, 1024>}]} {
    %jit3A = arith.constant 2 : i32
    %eq3A = arith.constant 0 : i32
    %eq3A_0 = arith.cmpi eq, %jit3A, %eq3A : i32
    %jit3A_1 = arith.constant 1 : i32
    %select_n3A = arith.select %eq3A_0, %jit3A_1, %jit3A : i32
    %rem3A = arith.remsi %arg0, %select_n3A : i32
    %ne3A = arith.constant 0 : i32
    %ne3A_2 = arith.cmpi ne, %rem3A, %ne3A : i32
    %lt3A = arith.constant 0 : i32
    %lt3A_3 = arith.cmpi slt, %rem3A, %lt3A : i32
    %lt3A_4 = arith.constant 0 : i32
    %lt3A_5 = arith.cmpi slt, %select_n3A, %lt3A_4 : i32
    %ne3A_6 = arith.xori %lt3A_3, %lt3A_5 : i1
    %and3A = arith.andi %ne3A_6, %ne3A_2 : i1
    %add3A = arith.addi %rem3A, %select_n3A : i32
    %select_n3A_7 = arith.select %and3A, %add3A, %rem3A : i32
    %eq3A_8 = arith.constant 0 : i32
    %eq3A_9 = arith.cmpi eq, %select_n3A_7, %eq3A_8 : i32
    %convert_element_type3A = arith.extui %eq3A_9 : i1 to i32
    %cond3A = arith.constant 0 : i32
    %cond3A_10 = arith.cmpi ne, %convert_element_type3A, %cond3A : i32
    scf.if %cond3A_10 {
      %broadcast_in_dim3A_182 = arith.constant 0.000000e+00 : f32
      %broadcast_in_dim3A_183 = vector.broadcast %broadcast_in_dim3A_182 : f32 to vector<1x768xf32>
      %swap3A_184 = arith.constant 0 : index
      %swap3A_185 = arith.constant 0 : index
      %swap3A_186 = vector.load %arg12[%swap3A_184, %swap3A_185] : memref<1x768xf32, #tpu.memory_space<vmem>>, vector<1x768xf32>
      tpu.vector_store %arg12[%swap3A_184, %swap3A_185], %broadcast_in_dim3A_183 {strides = array<i32>} : memref<1x768xf32, #tpu.memory_space<vmem>>, vector<1x768xf32>,
      %broadcast_in_dim3A_187 = arith.constant 0.000000e+00 : f32
      %broadcast_in_dim3A_188 = vector.broadcast %broadcast_in_dim3A_187 : f32 to vector<1x768xf32>
      %swap3A_189 = arith.constant 0 : index
      %swap3A_190 = arith.constant 0 : index
      %swap3A_191 = vector.load %arg13[%swap3A_189, %swap3A_190] : memref<1x768xf32, #tpu.memory_space<vmem>>, vector<1x768xf32>
      tpu.vector_store %arg13[%swap3A_189, %swap3A_190], %broadcast_in_dim3A_188 {strides = array<i32>} : memref<1x768xf32, #tpu.memory_space<vmem>>, vector<1x768xf32>,
    } else {
    }
    %get3A = arith.constant 0 : index
    %get3A_11 = arith.constant 0 : index
    %get3A_12 = arith.constant 0 : index
    %get3A_13 = arith.constant 0 : index
    %get3A_14 = vector.load %arg1[%get3A, %get3A_11, %get3A_12, %get3A_13] : memref<128x6x8x128xf32, #tpu.memory_space<vmem>>, vector<128x6x8x128xf32>
    %slice3A = vector.extract_strided_slice %get3A_14 {offsets = [0, 0, 0, 0], sizes = [128, 1, 8, 128], strides = [1, 1, 1, 1]} : vector<128x6x8x128xf32> to vector<128x1x8x128xf32>
    %squeeze3A = vector.shape_cast %slice3A : vector<128x1x8x128xf32> to vector<128x8x128xf32>
    %reshape3A = vector.shape_cast %squeeze3A : vector<128x8x128xf32> to vector<1024x128xf32>
    %slice3A_15 = vector.extract_strided_slice %get3A_14 {offsets = [0, 1, 0, 0], sizes = [128, 1, 8, 128], strides = [1, 1, 1, 1]} : vector<128x6x8x128xf32> to vector<128x1x8x128xf32>
    %squeeze3A_16 = vector.shape_cast %slice3A_15 : vector<128x1x8x128xf32> to vector<128x8x128xf32>
    %reshape3A_17 = vector.shape_cast %squeeze3A_16 : vector<128x8x128xf32> to vector<1024x128xf32>
    %slice3A_18 = vector.extract_strided_slice %get3A_14 {offsets = [0, 2, 0, 0], sizes = [128, 1, 8, 128], strides = [1, 1, 1, 1]} : vector<128x6x8x128xf32> to vector<128x1x8x128xf32>
    %squeeze3A_19 = vector.shape_cast %slice3A_18 : vector<128x1x8x128xf32> to vector<128x8x128xf32>
    %reshape3A_20 = vector.shape_cast %squeeze3A_19 : vector<128x8x128xf32> to vector<1024x128xf32>
    %slice3A_21 = vector.extract_strided_slice %get3A_14 {offsets = [0, 3, 0, 0], sizes = [128, 1, 8, 128], strides = [1, 1, 1, 1]} : vector<128x6x8x128xf32> to vector<128x1x8x128xf32>
    %squeeze3A_22 = vector.shape_cast %slice3A_21 : vector<128x1x8x128xf32> to vector<128x8x128xf32>
    %reshape3A_23 = vector.shape_cast %squeeze3A_22 : vector<128x8x128xf32> to vector<1024x128xf32>
    %slice3A_24 = vector.extract_strided_slice %get3A_14 {offsets = [0, 4, 0, 0], sizes = [128, 1, 8, 128], strides = [1, 1, 1, 1]} : vector<128x6x8x128xf32> to vector<128x1x8x128xf32>
    %squeeze3A_25 = vector.shape_cast %slice3A_24 : vector<128x1x8x128xf32> to vector<128x8x128xf32>
    %reshape3A_26 = vector.shape_cast %squeeze3A_25 : vector<128x8x128xf32> to vector<1024x128xf32>
    %slice3A_27 = vector.extract_strided_slice %get3A_14 {offsets = [0, 5, 0, 0], sizes = [128, 1, 8, 128], strides = [1, 1, 1, 1]} : vector<128x6x8x128xf32> to vector<128x1x8x128xf32>
    %squeeze3A_28 = vector.shape_cast %slice3A_27 : vector<128x1x8x128xf32> to vector<128x8x128xf32>
    %reshape3A_29 = vector.shape_cast %squeeze3A_28 : vector<128x8x128xf32> to vector<1024x128xf32>
    %concatenate3A = tpu.concatenate %reshape3A, %reshape3A_17, %reshape3A_20, %reshape3A_23, %reshape3A_26, %reshape3A_29 in 1 : vector<1024x128xf32>, vector<1024x128xf32>, vector<1024x128xf32>, vector<1024x128xf32>, vector<1024x128xf32>, vector<1024x128xf32> -> vector<1024x768xf32>
    %get3A_30 = arith.constant 0 : index
    %get3A_31 = arith.constant 0 : index
    %get3A_32 = vector.load %arg2[%get3A_30, %get3A_31] : memref<1x768xf32, #tpu.memory_space<vmem>>, vector<1x768xf32>
    %exp3A = math.exp %get3A_32 : vector<1x768xf32>
    %neg3A = arith.constant 0.000000e+00 : f32
    %neg3A_33 = vector.broadcast %neg3A : f32 to vector<1x768xf32>
    %neg3A_34 = arith.subf %neg3A_33, %exp3A : vector<1x768xf32>
    %exp3A_35 = math.exp %neg3A_34 : vector<1x768xf32>
    %get3A_36 = arith.constant 0 : index
    %get3A_37 = arith.constant 0 : index
    %get3A_38 = vector.load %arg3[%get3A_36, %get3A_37] : memref<768x2304xf32, #tpu.memory_space<vmem>>, vector<768x2304xf32>
    %dot_general3A = arith.constant dense<0.000000e+00> : vector<1024x2304xf32>
    %dot_general3A_39 = tpu.matmul %concatenate3A, %get3A_38, %dot_general3A {dimension_numbers = #tpu.dot_dimension_numbers<[1], [0], [0], [1], [0, 0, 1, 1], [], []>, transpose_lhs_hint = false} : vector<1024x768xf32>, vector<768x2304xf32>, vector<1024x2304xf32> -> vector<1024x2304xf32>
    %slice3A_40 = vector.extract_strided_slice %dot_general3A_39 {offsets = [0, 0], sizes = [1024, 768], strides = [1, 1]} : vector<1024x2304xf32> to vector<1024x768xf32>
    %logistic3A = arith.negf %slice3A_40 : vector<1024x768xf32>
    %logistic3A_41 = math.exp %logistic3A : vector<1024x768xf32>
    %logistic3A_42 = arith.constant 1.000000e+00 : f32
    %logistic3A_43 = vector.broadcast %logistic3A_42 : f32 to vector<1024x768xf32>
    %logistic3A_44 = arith.addf %logistic3A_43, %logistic3A_41 : vector<1024x768xf32>
    %logistic3A_45 = arith.divf %logistic3A_43, %logistic3A_44 : vector<1024x768xf32>
    %slice3A_46 = vector.extract_strided_slice %dot_general3A_39 {offsets = [0, 768], sizes = [1024, 768], strides = [1, 1]} : vector<1024x2304xf32> to vector<1024x768xf32>
    %slice3A_47 = vector.extract_strided_slice %dot_general3A_39 {offsets = [0, 1536], sizes = [1024, 768], strides = [1, 1]} : vector<1024x2304xf32> to vector<1024x768xf32>
    %jit3A_48 = arith.constant -3.000000e+01 : f32
    %jit3A_49 = arith.constant 3.000000e+01 : f32
    %max3A = vector.broadcast %jit3A_48 : f32 to vector<1024x768xf32>
    %max3A_50 = arith.maximumf %max3A, %slice3A_46 : vector<1024x768xf32>
    %min3A = vector.broadcast %jit3A_49 : f32 to vector<1024x768xf32>
    %min3A_51 = arith.minimumf %min3A, %max3A_50 : vector<1024x768xf32>
    %exp3A_52 = math.exp %min3A_51 : vector<1024x768xf32>
    %mul3A = arith.mulf %exp3A_52, %slice3A_47 : vector<1024x768xf32>
    %swap3A = arith.constant 0 : index
    %swap3A_53 = arith.constant 0 : index
    %swap3A_54 = vector.load %arg14[%swap3A, %swap3A_53] : memref<1024x768xf32, #tpu.memory_space<vmem>>, vector<1024x768xf32>
    tpu.vector_store %arg14[%swap3A, %swap3A_53], %mul3A {strides = array<i32>} : memref<1024x768xf32, #tpu.memory_space<vmem>>, vector<1024x768xf32>,
    %swap3A_55 = arith.constant 0 : index
    %swap3A_56 = arith.constant 0 : index
    %swap3A_57 = vector.load %arg15[%swap3A_55, %swap3A_56] : memref<1024x768xf32, #tpu.memory_space<vmem>>, vector<1024x768xf32>
    tpu.vector_store %arg15[%swap3A_55, %swap3A_56], %exp3A_52 {strides = array<i32>} : memref<1024x768xf32, #tpu.memory_space<vmem>>, vector<1024x768xf32>,
    %get3A_58 = arith.constant 0 : index
    %get3A_59 = arith.constant 0 : index
    %get3A_60 = vector.load %arg12[%get3A_58, %get3A_59] : memref<1x768xf32, #tpu.memory_space<vmem>>, vector<1x768xf32>
    %get3A_61 = arith.constant 0 : index
    %get3A_62 = arith.constant 0 : index
    %get3A_63 = vector.load %arg13[%get3A_61, %get3A_62] : memref<1x768xf32, #tpu.memory_space<vmem>>, vector<1x768xf32>
    %scan3A = arith.constant 0 : i32
    %scan3A_64 = arith.constant 64 : i32
    %scan3A_65 = arith.addi %scan3A, %scan3A_64 : i32
    %scan3A_66 = arith.constant 1 : i32
    %scan3A_67:2 = scf.for %scan3A_182 = %scan3A to %scan3A_65 step %scan3A_66 iter_args(%scan3A_183 = %get3A_60, %scan3A_184 = %get3A_63) -> (vector<1x768xf32>, vector<1x768xf32>)  : i32 {
      %mul3A_185 = arith.constant 16 : i32
      %mul3A_186 = arith.muli %scan3A_182, %mul3A_185 : i32
      %mul3A_187 = arith.mulf %exp3A_35, %scan3A_183 : vector<1x768xf32>
      %add3A_188 = arith.constant 0 : i32
      %add3A_189 = arith.addi %mul3A_186, %add3A_188 : i32
      %get3A_190 = arith.index_cast %add3A_189 : i32 to index
      %get3A_191 = arith.constant 0 : index
      %get3A_192 = vector.load %arg14[%get3A_190, %get3A_191] : memref<1024x768xf32, #tpu.memory_space<vmem>>, vector<1x768xf32>
      %add3A_193 = arith.addf %mul3A_187, %get3A_192 : vector<1x768xf32>
      %mul3A_194 = arith.mulf %exp3A_35, %scan3A_184 : vector<1x768xf32>
      %add3A_195 = arith.constant 0 : i32
      %add3A_196 = arith.addi %mul3A_186, %add3A_195 : i32
      %get3A_197 = arith.index_cast %add3A_196 : i32 to index
      %get3A_198 = arith.constant 0 : index
      %get3A_199 = vector.load %arg15[%get3A_197, %get3A_198] : memref<1024x768xf32, #tpu.memory_space<vmem>>, vector<1x768xf32>
      %add3A_200 = arith.addf %mul3A_194, %get3A_199 : vector<1x768xf32>
      %add3A_201 = arith.constant 0 : i32
      %add3A_202 = arith.addi %mul3A_186, %add3A_201 : i32
      %swap3A_203 = arith.index_cast %add3A_202 : i32 to index
      %swap3A_204 = arith.constant 0 : index
      %swap3A_205 = vector.load %arg14[%swap3A_203, %swap3A_204] : memref<1024x768xf32, #tpu.memory_space<vmem>>, vector<1x768xf32>
      tpu.vector_store %arg14[%swap3A_203, %swap3A_204], %add3A_193 {strides = array<i32>} : memref<1024x768xf32, #tpu.memory_space<vmem>>, vector<1x768xf32>,
      %add3A_206 = arith.constant 0 : i32
      %add3A_207 = arith.addi %mul3A_186, %add3A_206 : i32
      %swap3A_208 = arith.index_cast %add3A_207 : i32 to index
      %swap3A_209 = arith.constant 0 : index
      %swap3A_210 = vector.load %arg15[%swap3A_208, %swap3A_209] : memref<1024x768xf32, #tpu.memory_space<vmem>>, vector<1x768xf32>
      tpu.vector_store %arg15[%swap3A_208, %swap3A_209], %add3A_200 {strides = array<i32>} : memref<1024x768xf32, #tpu.memory_space<vmem>>, vector<1x768xf32>,
      %mul3A_211 = arith.mulf %exp3A_35, %add3A_193 : vector<1x768xf32>
      %add3A_212 = arith.constant 1 : i32
      %add3A_213 = arith.addi %mul3A_186, %add3A_212 : i32
      %get3A_214 = arith.index_cast %add3A_213 : i32 to index
      %get3A_215 = arith.constant 0 : index
      %get3A_216 = vector.load %arg14[%get3A_214, %get3A_215] : memref<1024x768xf32, #tpu.memory_space<vmem>>, vector<1x768xf32>
      %add3A_217 = arith.addf %mul3A_211, %get3A_216 : vector<1x768xf32>
      %mul3A_218 = arith.mulf %exp3A_35, %add3A_200 : vector<1x768xf32>
      %add3A_219 = arith.constant 1 : i32
      %add3A_220 = arith.addi %mul3A_186, %add3A_219 : i32
      %get3A_221 = arith.index_cast %add3A_220 : i32 to index
      %get3A_222 = arith.constant 0 : index
      %get3A_223 = vector.load %arg15[%get3A_221, %get3A_222] : memref<1024x768xf32, #tpu.memory_space<vmem>>, vector<1x768xf32>
      %add3A_224 = arith.addf %mul3A_218, %get3A_223 : vector<1x768xf32>
      %add3A_225 = arith.constant 1 : i32
      %add3A_226 = arith.addi %mul3A_186, %add3A_225 : i32
      %swap3A_227 = arith.index_cast %add3A_226 : i32 to index
      %swap3A_228 = arith.constant 0 : index
      %swap3A_229 = vector.load %arg14[%swap3A_227, %swap3A_228] : memref<1024x768xf32, #tpu.memory_space<vmem>>, vector<1x768xf32>
      tpu.vector_store %arg14[%swap3A_227, %swap3A_228], %add3A_217 {strides = array<i32>} : memref<1024x768xf32, #tpu.memory_space<vmem>>, vector<1x768xf32>,
      %add3A_230 = arith.constant 1 : i32
      %add3A_231 = arith.addi %mul3A_186, %add3A_230 : i32
      %swap3A_232 = arith.index_cast %add3A_231 : i32 to index
      %swap3A_233 = arith.constant 0 : index
      %swap3A_234 = vector.load %arg15[%swap3A_232, %swap3A_233] : memref<1024x768xf32, #tpu.memory_space<vmem>>, vector<1x768xf32>
      tpu.vector_store %arg15[%swap3A_232, %swap3A_233], %add3A_224 {strides = array<i32>} : memref<1024x768xf32, #tpu.memory_space<vmem>>, vector<1x768xf32>,
      %mul3A_235 = arith.mulf %exp3A_35, %add3A_217 : vector<1x768xf32>
      %add3A_236 = arith.constant 2 : i32
      %add3A_237 = arith.addi %mul3A_186, %add3A_236 : i32
      %get3A_238 = arith.index_cast %add3A_237 : i32 to index
      %get3A_239 = arith.constant 0 : index
      %get3A_240 = vector.load %arg14[%get3A_238, %get3A_239] : memref<1024x768xf32, #tpu.memory_space<vmem>>, vector<1x768xf32>
      %add3A_241 = arith.addf %mul3A_235, %get3A_240 : vector<1x768xf32>
      %mul3A_242 = arith.mulf %exp3A_35, %add3A_224 : vector<1x768xf32>
      %add3A_243 = arith.constant 2 : i32
      %add3A_244 = arith.addi %mul3A_186, %add3A_243 : i32
      %get3A_245 = arith.index_cast %add3A_244 : i32 to index
      %get3A_246 = arith.constant 0 : index
      %get3A_247 = vector.load %arg15[%get3A_245, %get3A_246] : memref<1024x768xf32, #tpu.memory_space<vmem>>, vector<1x768xf32>
      %add3A_248 = arith.addf %mul3A_242, %get3A_247 : vector<1x768xf32>
      %add3A_249 = arith.constant 2 : i32
      %add3A_250 = arith.addi %mul3A_186, %add3A_249 : i32
      %swap3A_251 = arith.index_cast %add3A_250 : i32 to index
      %swap3A_252 = arith.constant 0 : index
      %swap3A_253 = vector.load %arg14[%swap3A_251, %swap3A_252] : memref<1024x768xf32, #tpu.memory_space<vmem>>, vector<1x768xf32>
      tpu.vector_store %arg14[%swap3A_251, %swap3A_252], %add3A_241 {strides = array<i32>} : memref<1024x768xf32, #tpu.memory_space<vmem>>, vector<1x768xf32>,
      %add3A_254 = arith.constant 2 : i32
      %add3A_255 = arith.addi %mul3A_186, %add3A_254 : i32
      %swap3A_256 = arith.index_cast %add3A_255 : i32 to index
      %swap3A_257 = arith.constant 0 : index
      %swap3A_258 = vector.load %arg15[%swap3A_256, %swap3A_257] : memref<1024x768xf32, #tpu.memory_space<vmem>>, vector<1x768xf32>
      tpu.vector_store %arg15[%swap3A_256, %swap3A_257], %add3A_248 {strides = array<i32>} : memref<1024x768xf32, #tpu.memory_space<vmem>>, vector<1x768xf32>,
      %mul3A_259 = arith.mulf %exp3A_35, %add3A_241 : vector<1x768xf32>
      %add3A_260 = arith.constant 3 : i32
      %add3A_261 = arith.addi %mul3A_186, %add3A_260 : i32
      %get3A_262 = arith.index_cast %add3A_261 : i32 to index
      %get3A_263 = arith.constant 0 : index
      %get3A_264 = vector.load %arg14[%get3A_262, %get3A_263] : memref<1024x768xf32, #tpu.memory_space<vmem>>, vector<1x768xf32>
      %add3A_265 = arith.addf %mul3A_259, %get3A_264 : vector<1x768xf32>
      %mul3A_266 = arith.mulf %exp3A_35, %add3A_248 : vector<1x768xf32>
      %add3A_267 = arith.constant 3 : i32
      %add3A_268 = arith.addi %mul3A_186, %add3A_267 : i32
      %get3A_269 = arith.index_cast %add3A_268 : i32 to index
      %get3A_270 = arith.constant 0 : index
      %get3A_271 = vector.load %arg15[%get3A_269, %get3A_270] : memref<1024x768xf32, #tpu.memory_space<vmem>>, vector<1x768xf32>
      %add3A_272 = arith.addf %mul3A_266, %get3A_271 : vector<1x768xf32>
      %add3A_273 = arith.constant 3 : i32
      %add3A_274 = arith.addi %mul3A_186, %add3A_273 : i32
      %swap3A_275 = arith.index_cast %add3A_274 : i32 to index
      %swap3A_276 = arith.constant 0 : index
      %swap3A_277 = vector.load %arg14[%swap3A_275, %swap3A_276] : memref<1024x768xf32, #tpu.memory_space<vmem>>, vector<1x768xf32>
      tpu.vector_store %arg14[%swap3A_275, %swap3A_276], %add3A_265 {strides = array<i32>} : memref<1024x768xf32, #tpu.memory_space<vmem>>, vector<1x768xf32>,
      %add3A_278 = arith.constant 3 : i32
      %add3A_279 = arith.addi %mul3A_186, %add3A_278 : i32
      %swap3A_280 = arith.index_cast %add3A_279 : i32 to index
      %swap3A_281 = arith.constant 0 : index
      %swap3A_282 = vector.load %arg15[%swap3A_280, %swap3A_281] : memref<1024x768xf32, #tpu.memory_space<vmem>>, vector<1x768xf32>
      tpu.vector_store %arg15[%swap3A_280, %swap3A_281], %add3A_272 {strides = array<i32>} : memref<1024x768xf32, #tpu.memory_space<vmem>>, vector<1x768xf32>,
      %mul3A_283 = arith.mulf %exp3A_35, %add3A_265 : vector<1x768xf32>
      %add3A_284 = arith.constant 4 : i32
      %add3A_285 = arith.addi %mul3A_186, %add3A_284 : i32
      %get3A_286 = arith.index_cast %add3A_285 : i32 to index
      %get3A_287 = arith.constant 0 : index
      %get3A_288 = vector.load %arg14[%get3A_286, %get3A_287] : memref<1024x768xf32, #tpu.memory_space<vmem>>, vector<1x768xf32>
      %add3A_289 = arith.addf %mul3A_283, %get3A_288 : vector<1x768xf32>
      %mul3A_290 = arith.mulf %exp3A_35, %add3A_272 : vector<1x768xf32>
      %add3A_291 = arith.constant 4 : i32
      %add3A_292 = arith.addi %mul3A_186, %add3A_291 : i32
      %get3A_293 = arith.index_cast %add3A_292 : i32 to index
      %get3A_294 = arith.constant 0 : index
      %get3A_295 = vector.load %arg15[%get3A_293, %get3A_294] : memref<1024x768xf32, #tpu.memory_space<vmem>>, vector<1x768xf32>
      %add3A_296 = arith.addf %mul3A_290, %get3A_295 : vector<1x768xf32>
      %add3A_297 = arith.constant 4 : i32
      %add3A_298 = arith.addi %mul3A_186, %add3A_297 : i32
      %swap3A_299 = arith.index_cast %add3A_298 : i32 to index
      %swap3A_300 = arith.constant 0 : index
      %swap3A_301 = vector.load %arg14[%swap3A_299, %swap3A_300] : memref<1024x768xf32, #tpu.memory_space<vmem>>, vector<1x768xf32>
      tpu.vector_store %arg14[%swap3A_299, %swap3A_300], %add3A_289 {strides = array<i32>} : memref<1024x768xf32, #tpu.memory_space<vmem>>, vector<1x768xf32>,
      %add3A_302 = arith.constant 4 : i32
      %add3A_303 = arith.addi %mul3A_186, %add3A_302 : i32
      %swap3A_304 = arith.index_cast %add3A_303 : i32 to index
      %swap3A_305 = arith.constant 0 : index
      %swap3A_306 = vector.load %arg15[%swap3A_304, %swap3A_305] : memref<1024x768xf32, #tpu.memory_space<vmem>>, vector<1x768xf32>
      tpu.vector_store %arg15[%swap3A_304, %swap3A_305], %add3A_296 {strides = array<i32>} : memref<1024x768xf32, #tpu.memory_space<vmem>>, vector<1x768xf32>,
      %mul3A_307 = arith.mulf %exp3A_35, %add3A_289 : vector<1x768xf32>
      %add3A_308 = arith.constant 5 : i32
      %add3A_309 = arith.addi %mul3A_186, %add3A_308 : i32
      %get3A_310 = arith.index_cast %add3A_309 : i32 to index
      %get3A_311 = arith.constant 0 : index
      %get3A_312 = vector.load %arg14[%get3A_310, %get3A_311] : memref<1024x768xf32, #tpu.memory_space<vmem>>, vector<1x768xf32>
      %add3A_313 = arith.addf %mul3A_307, %get3A_312 : vector<1x768xf32>
      %mul3A_314 = arith.mulf %exp3A_35, %add3A_296 : vector<1x768xf32>
      %add3A_315 = arith.constant 5 : i32
      %add3A_316 = arith.addi %mul3A_186, %add3A_315 : i32
      %get3A_317 = arith.index_cast %add3A_316 : i32 to index
      %get3A_318 = arith.constant 0 : index
      %get3A_319 = vector.load %arg15[%get3A_317, %get3A_318] : memref<1024x768xf32, #tpu.memory_space<vmem>>, vector<1x768xf32>
      %add3A_320 = arith.addf %mul3A_314, %get3A_319 : vector<1x768xf32>
      %add3A_321 = arith.constant 5 : i32
      %add3A_322 = arith.addi %mul3A_186, %add3A_321 : i32
      %swap3A_323 = arith.index_cast %add3A_322 : i32 to index
      %swap3A_324 = arith.constant 0 : index
      %swap3A_325 = vector.load %arg14[%swap3A_323, %swap3A_324] : memref<1024x768xf32, #tpu.memory_space<vmem>>, vector<1x768xf32>
      tpu.vector_store %arg14[%swap3A_323, %swap3A_324], %add3A_313 {strides = array<i32>} : memref<1024x768xf32, #tpu.memory_space<vmem>>, vector<1x768xf32>,
      %add3A_326 = arith.constant 5 : i32
      %add3A_327 = arith.addi %mul3A_186, %add3A_326 : i32
      %swap3A_328 = arith.index_cast %add3A_327 : i32 to index
      %swap3A_329 = arith.constant 0 : index
      %swap3A_330 = vector.load %arg15[%swap3A_328, %swap3A_329] : memref<1024x768xf32, #tpu.memory_space<vmem>>, vector<1x768xf32>
      tpu.vector_store %arg15[%swap3A_328, %swap3A_329], %add3A_320 {strides = array<i32>} : memref<1024x768xf32, #tpu.memory_space<vmem>>, vector<1x768xf32>,
      %mul3A_331 = arith.mulf %exp3A_35, %add3A_313 : vector<1x768xf32>
      %add3A_332 = arith.constant 6 : i32
      %add3A_333 = arith.addi %mul3A_186, %add3A_332 : i32
      %get3A_334 = arith.index_cast %add3A_333 : i32 to index
      %get3A_335 = arith.constant 0 : index
      %get3A_336 = vector.load %arg14[%get3A_334, %get3A_335] : memref<1024x768xf32, #tpu.memory_space<vmem>>, vector<1x768xf32>
      %add3A_337 = arith.addf %mul3A_331, %get3A_336 : vector<1x768xf32>
      %mul3A_338 = arith.mulf %exp3A_35, %add3A_320 : vector<1x768xf32>
      %add3A_339 = arith.constant 6 : i32
      %add3A_340 = arith.addi %mul3A_186, %add3A_339 : i32
      %get3A_341 = arith.index_cast %add3A_340 : i32 to index
      %get3A_342 = arith.constant 0 : index
      %get3A_343 = vector.load %arg15[%get3A_341, %get3A_342] : memref<1024x768xf32, #tpu.memory_space<vmem>>, vector<1x768xf32>
      %add3A_344 = arith.addf %mul3A_338, %get3A_343 : vector<1x768xf32>
      %add3A_345 = arith.constant 6 : i32
      %add3A_346 = arith.addi %mul3A_186, %add3A_345 : i32
      %swap3A_347 = arith.index_cast %add3A_346 : i32 to index
      %swap3A_348 = arith.constant 0 : index
      %swap3A_349 = vector.load %arg14[%swap3A_347, %swap3A_348] : memref<1024x768xf32, #tpu.memory_space<vmem>>, vector<1x768xf32>
      tpu.vector_store %arg14[%swap3A_347, %swap3A_348], %add3A_337 {strides = array<i32>} : memref<1024x768xf32, #tpu.memory_space<vmem>>, vector<1x768xf32>,
      %add3A_350 = arith.constant 6 : i32
      %add3A_351 = arith.addi %mul3A_186, %add3A_350 : i32
      %swap3A_352 = arith.index_cast %add3A_351 : i32 to index
      %swap3A_353 = arith.constant 0 : index
      %swap3A_354 = vector.load %arg15[%swap3A_352, %swap3A_353] : memref<1024x768xf32, #tpu.memory_space<vmem>>, vector<1x768xf32>
      tpu.vector_store %arg15[%swap3A_352, %swap3A_353], %add3A_344 {strides = array<i32>} : memref<1024x768xf32, #tpu.memory_space<vmem>>, vector<1x768xf32>,
      %mul3A_355 = arith.mulf %exp3A_35, %add3A_337 : vector<1x768xf32>
      %add3A_356 = arith.constant 7 : i32
      %add3A_357 = arith.addi %mul3A_186, %add3A_356 : i32
      %get3A_358 = arith.index_cast %add3A_357 : i32 to index
      %get3A_359 = arith.constant 0 : index
      %get3A_360 = vector.load %arg14[%get3A_358, %get3A_359] : memref<1024x768xf32, #tpu.memory_space<vmem>>, vector<1x768xf32>
      %add3A_361 = arith.addf %mul3A_355, %get3A_360 : vector<1x768xf32>
      %mul3A_362 = arith.mulf %exp3A_35, %add3A_344 : vector<1x768xf32>
      %add3A_363 = arith.constant 7 : i32
      %add3A_364 = arith.addi %mul3A_186, %add3A_363 : i32
      %get3A_365 = arith.index_cast %add3A_364 : i32 to index
      %get3A_366 = arith.constant 0 : index
      %get3A_367 = vector.load %arg15[%get3A_365, %get3A_366] : memref<1024x768xf32, #tpu.memory_space<vmem>>, vector<1x768xf32>
      %add3A_368 = arith.addf %mul3A_362, %get3A_367 : vector<1x768xf32>
      %add3A_369 = arith.constant 7 : i32
      %add3A_370 = arith.addi %mul3A_186, %add3A_369 : i32
      %swap3A_371 = arith.index_cast %add3A_370 : i32 to index
      %swap3A_372 = arith.constant 0 : index
      %swap3A_373 = vector.load %arg14[%swap3A_371, %swap3A_372] : memref<1024x768xf32, #tpu.memory_space<vmem>>, vector<1x768xf32>
      tpu.vector_store %arg14[%swap3A_371, %swap3A_372], %add3A_361 {strides = array<i32>} : memref<1024x768xf32, #tpu.memory_space<vmem>>, vector<1x768xf32>,
      %add3A_374 = arith.constant 7 : i32
      %add3A_375 = arith.addi %mul3A_186, %add3A_374 : i32
      %swap3A_376 = arith.index_cast %add3A_375 : i32 to index
      %swap3A_377 = arith.constant 0 : index
      %swap3A_378 = vector.load %arg15[%swap3A_376, %swap3A_377] : memref<1024x768xf32, #tpu.memory_space<vmem>>, vector<1x768xf32>
      tpu.vector_store %arg15[%swap3A_376, %swap3A_377], %add3A_368 {strides = array<i32>} : memref<1024x768xf32, #tpu.memory_space<vmem>>, vector<1x768xf32>,
      %mul3A_379 = arith.mulf %exp3A_35, %add3A_361 : vector<1x768xf32>
      %add3A_380 = arith.constant 8 : i32
      %add3A_381 = arith.addi %mul3A_186, %add3A_380 : i32
      %get3A_382 = arith.index_cast %add3A_381 : i32 to index
      %get3A_383 = arith.constant 0 : index
      %get3A_384 = vector.load %arg14[%get3A_382, %get3A_383] : memref<1024x768xf32, #tpu.memory_space<vmem>>, vector<1x768xf32>
      %add3A_385 = arith.addf %mul3A_379, %get3A_384 : vector<1x768xf32>
      %mul3A_386 = arith.mulf %exp3A_35, %add3A_368 : vector<1x768xf32>
      %add3A_387 = arith.constant 8 : i32
      %add3A_388 = arith.addi %mul3A_186, %add3A_387 : i32
      %get3A_389 = arith.index_cast %add3A_388 : i32 to index
      %get3A_390 = arith.constant 0 : index
      %get3A_391 = vector.load %arg15[%get3A_389, %get3A_390] : memref<1024x768xf32, #tpu.memory_space<vmem>>, vector<1x768xf32>
      %add3A_392 = arith.addf %mul3A_386, %get3A_391 : vector<1x768xf32>
      %add3A_393 = arith.constant 8 : i32
      %add3A_394 = arith.addi %mul3A_186, %add3A_393 : i32
      %swap3A_395 = arith.index_cast %add3A_394 : i32 to index
      %swap3A_396 = arith.constant 0 : index
      %swap3A_397 = vector.load %arg14[%swap3A_395, %swap3A_396] : memref<1024x768xf32, #tpu.memory_space<vmem>>, vector<1x768xf32>
      tpu.vector_store %arg14[%swap3A_395, %swap3A_396], %add3A_385 {strides = array<i32>} : memref<1024x768xf32, #tpu.memory_space<vmem>>, vector<1x768xf32>,
      %add3A_398 = arith.constant 8 : i32
      %add3A_399 = arith.addi %mul3A_186, %add3A_398 : i32
      %swap3A_400 = arith.index_cast %add3A_399 : i32 to index
      %swap3A_401 = arith.constant 0 : index
      %swap3A_402 = vector.load %arg15[%swap3A_400, %swap3A_401] : memref<1024x768xf32, #tpu.memory_space<vmem>>, vector<1x768xf32>
      tpu.vector_store %arg15[%swap3A_400, %swap3A_401], %add3A_392 {strides = array<i32>} : memref<1024x768xf32, #tpu.memory_space<vmem>>, vector<1x768xf32>,
      %mul3A_403 = arith.mulf %exp3A_35, %add3A_385 : vector<1x768xf32>
      %add3A_404 = arith.constant 9 : i32
      %add3A_405 = arith.addi %mul3A_186, %add3A_404 : i32
      %get3A_406 = arith.index_cast %add3A_405 : i32 to index
      %get3A_407 = arith.constant 0 : index
      %get3A_408 = vector.load %arg14[%get3A_406, %get3A_407] : memref<1024x768xf32, #tpu.memory_space<vmem>>, vector<1x768xf32>
      %add3A_409 = arith.addf %mul3A_403, %get3A_408 : vector<1x768xf32>
      %mul3A_410 = arith.mulf %exp3A_35, %add3A_392 : vector<1x768xf32>
      %add3A_411 = arith.constant 9 : i32
      %add3A_412 = arith.addi %mul3A_186, %add3A_411 : i32
      %get3A_413 = arith.index_cast %add3A_412 : i32 to index
      %get3A_414 = arith.constant 0 : index
      %get3A_415 = vector.load %arg15[%get3A_413, %get3A_414] : memref<1024x768xf32, #tpu.memory_space<vmem>>, vector<1x768xf32>
      %add3A_416 = arith.addf %mul3A_410, %get3A_415 : vector<1x768xf32>
      %add3A_417 = arith.constant 9 : i32
      %add3A_418 = arith.addi %mul3A_186, %add3A_417 : i32
      %swap3A_419 = arith.index_cast %add3A_418 : i32 to index
      %swap3A_420 = arith.constant 0 : index
      %swap3A_421 = vector.load %arg14[%swap3A_419, %swap3A_420] : memref<1024x768xf32, #tpu.memory_space<vmem>>, vector<1x768xf32>
      tpu.vector_store %arg14[%swap3A_419, %swap3A_420], %add3A_409 {strides = array<i32>} : memref<1024x768xf32, #tpu.memory_space<vmem>>, vector<1x768xf32>,
      %add3A_422 = arith.constant 9 : i32
      %add3A_423 = arith.addi %mul3A_186, %add3A_422 : i32
      %swap3A_424 = arith.index_cast %add3A_423 : i32 to index
      %swap3A_425 = arith.constant 0 : index
      %swap3A_426 = vector.load %arg15[%swap3A_424, %swap3A_425] : memref<1024x768xf32, #tpu.memory_space<vmem>>, vector<1x768xf32>
      tpu.vector_store %arg15[%swap3A_424, %swap3A_425], %add3A_416 {strides = array<i32>} : memref<1024x768xf32, #tpu.memory_space<vmem>>, vector<1x768xf32>,
      %mul3A_427 = arith.mulf %exp3A_35, %add3A_409 : vector<1x768xf32>
      %add3A_428 = arith.constant 10 : i32
      %add3A_429 = arith.addi %mul3A_186, %add3A_428 : i32
      %get3A_430 = arith.index_cast %add3A_429 : i32 to index
      %get3A_431 = arith.constant 0 : index
      %get3A_432 = vector.load %arg14[%get3A_430, %get3A_431] : memref<1024x768xf32, #tpu.memory_space<vmem>>, vector<1x768xf32>
      %add3A_433 = arith.addf %mul3A_427, %get3A_432 : vector<1x768xf32>
      %mul3A_434 = arith.mulf %exp3A_35, %add3A_416 : vector<1x768xf32>
      %add3A_435 = arith.constant 10 : i32
      %add3A_436 = arith.addi %mul3A_186, %add3A_435 : i32
      %get3A_437 = arith.index_cast %add3A_436 : i32 to index
      %get3A_438 = arith.constant 0 : index
      %get3A_439 = vector.load %arg15[%get3A_437, %get3A_438] : memref<1024x768xf32, #tpu.memory_space<vmem>>, vector<1x768xf32>
      %add3A_440 = arith.addf %mul3A_434, %get3A_439 : vector<1x768xf32>
      %add3A_441 = arith.constant 10 : i32
      %add3A_442 = arith.addi %mul3A_186, %add3A_441 : i32
      %swap3A_443 = arith.index_cast %add3A_442 : i32 to index
      %swap3A_444 = arith.constant 0 : index
      %swap3A_445 = vector.load %arg14[%swap3A_443, %swap3A_444] : memref<1024x768xf32, #tpu.memory_space<vmem>>, vector<1x768xf32>
      tpu.vector_store %arg14[%swap3A_443, %swap3A_444], %add3A_433 {strides = array<i32>} : memref<1024x768xf32, #tpu.memory_space<vmem>>, vector<1x768xf32>,
      %add3A_446 = arith.constant 10 : i32
      %add3A_447 = arith.addi %mul3A_186, %add3A_446 : i32
      %swap3A_448 = arith.index_cast %add3A_447 : i32 to index
      %swap3A_449 = arith.constant 0 : index
      %swap3A_450 = vector.load %arg15[%swap3A_448, %swap3A_449] : memref<1024x768xf32, #tpu.memory_space<vmem>>, vector<1x768xf32>
      tpu.vector_store %arg15[%swap3A_448, %swap3A_449], %add3A_440 {strides = array<i32>} : memref<1024x768xf32, #tpu.memory_space<vmem>>, vector<1x768xf32>,
      %mul3A_451 = arith.mulf %exp3A_35, %add3A_433 : vector<1x768xf32>
      %add3A_452 = arith.constant 11 : i32
      %add3A_453 = arith.addi %mul3A_186, %add3A_452 : i32
      %get3A_454 = arith.index_cast %add3A_453 : i32 to index
      %get3A_455 = arith.constant 0 : index
      %get3A_456 = vector.load %arg14[%get3A_454, %get3A_455] : memref<1024x768xf32, #tpu.memory_space<vmem>>, vector<1x768xf32>
      %add3A_457 = arith.addf %mul3A_451, %get3A_456 : vector<1x768xf32>
      %mul3A_458 = arith.mulf %exp3A_35, %add3A_440 : vector<1x768xf32>
      %add3A_459 = arith.constant 11 : i32
      %add3A_460 = arith.addi %mul3A_186, %add3A_459 : i32
      %get3A_461 = arith.index_cast %add3A_460 : i32 to index
      %get3A_462 = arith.constant 0 : index
      %get3A_463 = vector.load %arg15[%get3A_461, %get3A_462] : memref<1024x768xf32, #tpu.memory_space<vmem>>, vector<1x768xf32>
      %add3A_464 = arith.addf %mul3A_458, %get3A_463 : vector<1x768xf32>
      %add3A_465 = arith.constant 11 : i32
      %add3A_466 = arith.addi %mul3A_186, %add3A_465 : i32
      %swap3A_467 = arith.index_cast %add3A_466 : i32 to index
      %swap3A_468 = arith.constant 0 : index
      %swap3A_469 = vector.load %arg14[%swap3A_467, %swap3A_468] : memref<1024x768xf32, #tpu.memory_space<vmem>>, vector<1x768xf32>
      tpu.vector_store %arg14[%swap3A_467, %swap3A_468], %add3A_457 {strides = array<i32>} : memref<1024x768xf32, #tpu.memory_space<vmem>>, vector<1x768xf32>,
      %add3A_470 = arith.constant 11 : i32
      %add3A_471 = arith.addi %mul3A_186, %add3A_470 : i32
      %swap3A_472 = arith.index_cast %add3A_471 : i32 to index
      %swap3A_473 = arith.constant 0 : index
      %swap3A_474 = vector.load %arg15[%swap3A_472, %swap3A_473] : memref<1024x768xf32, #tpu.memory_space<vmem>>, vector<1x768xf32>
      tpu.vector_store %arg15[%swap3A_472, %swap3A_473], %add3A_464 {strides = array<i32>} : memref<1024x768xf32, #tpu.memory_space<vmem>>, vector<1x768xf32>,
      %mul3A_475 = arith.mulf %exp3A_35, %add3A_457 : vector<1x768xf32>
      %add3A_476 = arith.constant 12 : i32
      %add3A_477 = arith.addi %mul3A_186, %add3A_476 : i32
      %get3A_478 = arith.index_cast %add3A_477 : i32 to index
      %get3A_479 = arith.constant 0 : index
      %get3A_480 = vector.load %arg14[%get3A_478, %get3A_479] : memref<1024x768xf32, #tpu.memory_space<vmem>>, vector<1x768xf32>
      %add3A_481 = arith.addf %mul3A_475, %get3A_480 : vector<1x768xf32>
      %mul3A_482 = arith.mulf %exp3A_35, %add3A_464 : vector<1x768xf32>
      %add3A_483 = arith.constant 12 : i32
      %add3A_484 = arith.addi %mul3A_186, %add3A_483 : i32
      %get3A_485 = arith.index_cast %add3A_484 : i32 to index
      %get3A_486 = arith.constant 0 : index
      %get3A_487 = vector.load %arg15[%get3A_485, %get3A_486] : memref<1024x768xf32, #tpu.memory_space<vmem>>, vector<1x768xf32>
      %add3A_488 = arith.addf %mul3A_482, %get3A_487 : vector<1x768xf32>
      %add3A_489 = arith.constant 12 : i32
      %add3A_490 = arith.addi %mul3A_186, %add3A_489 : i32
      %swap3A_491 = arith.index_cast %add3A_490 : i32 to index
      %swap3A_492 = arith.constant 0 : index
      %swap3A_493 = vector.load %arg14[%swap3A_491, %swap3A_492] : memref<1024x768xf32, #tpu.memory_space<vmem>>, vector<1x768xf32>
      tpu.vector_store %arg14[%swap3A_491, %swap3A_492], %add3A_481 {strides = array<i32>} : memref<1024x768xf32, #tpu.memory_space<vmem>>, vector<1x768xf32>,
      %add3A_494 = arith.constant 12 : i32
      %add3A_495 = arith.addi %mul3A_186, %add3A_494 : i32
      %swap3A_496 = arith.index_cast %add3A_495 : i32 to index
      %swap3A_497 = arith.constant 0 : index
      %swap3A_498 = vector.load %arg15[%swap3A_496, %swap3A_497] : memref<1024x768xf32, #tpu.memory_space<vmem>>, vector<1x768xf32>
      tpu.vector_store %arg15[%swap3A_496, %swap3A_497], %add3A_488 {strides = array<i32>} : memref<1024x768xf32, #tpu.memory_space<vmem>>, vector<1x768xf32>,
      %mul3A_499 = arith.mulf %exp3A_35, %add3A_481 : vector<1x768xf32>
      %add3A_500 = arith.constant 13 : i32
      %add3A_501 = arith.addi %mul3A_186, %add3A_500 : i32
      %get3A_502 = arith.index_cast %add3A_501 : i32 to index
      %get3A_503 = arith.constant 0 : index
      %get3A_504 = vector.load %arg14[%get3A_502, %get3A_503] : memref<1024x768xf32, #tpu.memory_space<vmem>>, vector<1x768xf32>
      %add3A_505 = arith.addf %mul3A_499, %get3A_504 : vector<1x768xf32>
      %mul3A_506 = arith.mulf %exp3A_35, %add3A_488 : vector<1x768xf32>
      %add3A_507 = arith.constant 13 : i32
      %add3A_508 = arith.addi %mul3A_186, %add3A_507 : i32
      %get3A_509 = arith.index_cast %add3A_508 : i32 to index
      %get3A_510 = arith.constant 0 : index
      %get3A_511 = vector.load %arg15[%get3A_509, %get3A_510] : memref<1024x768xf32, #tpu.memory_space<vmem>>, vector<1x768xf32>
      %add3A_512 = arith.addf %mul3A_506, %get3A_511 : vector<1x768xf32>
      %add3A_513 = arith.constant 13 : i32
      %add3A_514 = arith.addi %mul3A_186, %add3A_513 : i32
      %swap3A_515 = arith.index_cast %add3A_514 : i32 to index
      %swap3A_516 = arith.constant 0 : index
      %swap3A_517 = vector.load %arg14[%swap3A_515, %swap3A_516] : memref<1024x768xf32, #tpu.memory_space<vmem>>, vector<1x768xf32>
      tpu.vector_store %arg14[%swap3A_515, %swap3A_516], %add3A_505 {strides = array<i32>} : memref<1024x768xf32, #tpu.memory_space<vmem>>, vector<1x768xf32>,
      %add3A_518 = arith.constant 13 : i32
      %add3A_519 = arith.addi %mul3A_186, %add3A_518 : i32
      %swap3A_520 = arith.index_cast %add3A_519 : i32 to index
      %swap3A_521 = arith.constant 0 : index
      %swap3A_522 = vector.load %arg15[%swap3A_520, %swap3A_521] : memref<1024x768xf32, #tpu.memory_space<vmem>>, vector<1x768xf32>
      tpu.vector_store %arg15[%swap3A_520, %swap3A_521], %add3A_512 {strides = array<i32>} : memref<1024x768xf32, #tpu.memory_space<vmem>>, vector<1x768xf32>,
      %mul3A_523 = arith.mulf %exp3A_35, %add3A_505 : vector<1x768xf32>
      %add3A_524 = arith.constant 14 : i32
      %add3A_525 = arith.addi %mul3A_186, %add3A_524 : i32
      %get3A_526 = arith.index_cast %add3A_525 : i32 to index
      %get3A_527 = arith.constant 0 : index
      %get3A_528 = vector.load %arg14[%get3A_526, %get3A_527] : memref<1024x768xf32, #tpu.memory_space<vmem>>, vector<1x768xf32>
      %add3A_529 = arith.addf %mul3A_523, %get3A_528 : vector<1x768xf32>
      %mul3A_530 = arith.mulf %exp3A_35, %add3A_512 : vector<1x768xf32>
      %add3A_531 = arith.constant 14 : i32
      %add3A_532 = arith.addi %mul3A_186, %add3A_531 : i32
      %get3A_533 = arith.index_cast %add3A_532 : i32 to index
      %get3A_534 = arith.constant 0 : index
      %get3A_535 = vector.load %arg15[%get3A_533, %get3A_534] : memref<1024x768xf32, #tpu.memory_space<vmem>>, vector<1x768xf32>
      %add3A_536 = arith.addf %mul3A_530, %get3A_535 : vector<1x768xf32>
      %add3A_537 = arith.constant 14 : i32
      %add3A_538 = arith.addi %mul3A_186, %add3A_537 : i32
      %swap3A_539 = arith.index_cast %add3A_538 : i32 to index
      %swap3A_540 = arith.constant 0 : index
      %swap3A_541 = vector.load %arg14[%swap3A_539, %swap3A_540] : memref<1024x768xf32, #tpu.memory_space<vmem>>, vector<1x768xf32>
      tpu.vector_store %arg14[%swap3A_539, %swap3A_540], %add3A_529 {strides = array<i32>} : memref<1024x768xf32, #tpu.memory_space<vmem>>, vector<1x768xf32>,
      %add3A_542 = arith.constant 14 : i32
      %add3A_543 = arith.addi %mul3A_186, %add3A_542 : i32
      %swap3A_544 = arith.index_cast %add3A_543 : i32 to index
      %swap3A_545 = arith.constant 0 : index
      %swap3A_546 = vector.load %arg15[%swap3A_544, %swap3A_545] : memref<1024x768xf32, #tpu.memory_space<vmem>>, vector<1x768xf32>
      tpu.vector_store %arg15[%swap3A_544, %swap3A_545], %add3A_536 {strides = array<i32>} : memref<1024x768xf32, #tpu.memory_space<vmem>>, vector<1x768xf32>,
      %mul3A_547 = arith.mulf %exp3A_35, %add3A_529 : vector<1x768xf32>
      %add3A_548 = arith.constant 15 : i32
      %add3A_549 = arith.addi %mul3A_186, %add3A_548 : i32
      %get3A_550 = arith.index_cast %add3A_549 : i32 to index
      %get3A_551 = arith.constant 0 : index
      %get3A_552 = vector.load %arg14[%get3A_550, %get3A_551] : memref<1024x768xf32, #tpu.memory_space<vmem>>, vector<1x768xf32>
      %add3A_553 = arith.addf %mul3A_547, %get3A_552 : vector<1x768xf32>
      %mul3A_554 = arith.mulf %exp3A_35, %add3A_536 : vector<1x768xf32>
      %add3A_555 = arith.constant 15 : i32
      %add3A_556 = arith.addi %mul3A_186, %add3A_555 : i32
      %get3A_557 = arith.index_cast %add3A_556 : i32 to index
      %get3A_558 = arith.constant 0 : index
      %get3A_559 = vector.load %arg15[%get3A_557, %get3A_558] : memref<1024x768xf32, #tpu.memory_space<vmem>>, vector<1x768xf32>
      %add3A_560 = arith.addf %mul3A_554, %get3A_559 : vector<1x768xf32>
      %add3A_561 = arith.constant 15 : i32
      %add3A_562 = arith.addi %mul3A_186, %add3A_561 : i32
      %swap3A_563 = arith.index_cast %add3A_562 : i32 to index
      %swap3A_564 = arith.constant 0 : index
      %swap3A_565 = vector.load %arg14[%swap3A_563, %swap3A_564] : memref<1024x768xf32, #tpu.memory_space<vmem>>, vector<1x768xf32>
      tpu.vector_store %arg14[%swap3A_563, %swap3A_564], %add3A_553 {strides = array<i32>} : memref<1024x768xf32, #tpu.memory_space<vmem>>, vector<1x768xf32>,
      %add3A_566 = arith.constant 15 : i32
      %add3A_567 = arith.addi %mul3A_186, %add3A_566 : i32
      %swap3A_568 = arith.index_cast %add3A_567 : i32 to index
      %swap3A_569 = arith.constant 0 : index
      %swap3A_570 = vector.load %arg15[%swap3A_568, %swap3A_569] : memref<1024x768xf32, #tpu.memory_space<vmem>>, vector<1x768xf32>
      tpu.vector_store %arg15[%swap3A_568, %swap3A_569], %add3A_560 {strides = array<i32>} : memref<1024x768xf32, #tpu.memory_space<vmem>>, vector<1x768xf32>,
      scf.yield %add3A_553, %add3A_560 : vector<1x768xf32>, vector<1x768xf32>
    }
    %scan3A_68 = arith.constant 64 : i32
    %swap3A_69 = arith.constant 0 : index
    %swap3A_70 = arith.constant 0 : index
    %swap3A_71 = vector.load %arg12[%swap3A_69, %swap3A_70] : memref<1x768xf32, #tpu.memory_space<vmem>>, vector<1x768xf32>
    tpu.vector_store %arg12[%swap3A_69, %swap3A_70], %scan3A_67#0 {strides = array<i32>} : memref<1x768xf32, #tpu.memory_space<vmem>>, vector<1x768xf32>,
    %swap3A_72 = arith.constant 0 : index
    %swap3A_73 = arith.constant 0 : index
    %swap3A_74 = vector.load %arg13[%swap3A_72, %swap3A_73] : memref<1x768xf32, #tpu.memory_space<vmem>>, vector<1x768xf32>
    tpu.vector_store %arg13[%swap3A_72, %swap3A_73], %scan3A_67#1 {strides = array<i32>} : memref<1x768xf32, #tpu.memory_space<vmem>>, vector<1x768xf32>,
    %get3A_75 = arith.constant 0 : index
    %get3A_76 = arith.constant 0 : index
    %get3A_77 = vector.load %arg14[%get3A_75, %get3A_76] : memref<1024x768xf32, #tpu.memory_space<vmem>>, vector<1024x768xf32>
    %get3A_78 = arith.constant 0 : index
    %get3A_79 = arith.constant 0 : index
    %get3A_80 = vector.load %arg15[%get3A_78, %get3A_79] : memref<1024x768xf32, #tpu.memory_space<vmem>>, vector<1024x768xf32>
    %add3A_81 = arith.constant 9.99999997E-7 : f32
    %add3A_82 = vector.broadcast %add3A_81 : f32 to vector<1024x768xf32>
    %add3A_83 = arith.addf %get3A_80, %add3A_82 : vector<1024x768xf32>
    %div3A = arith.divf %get3A_77, %add3A_83 : vector<1024x768xf32>
    %mul3A_84 = arith.mulf %logistic3A_45, %div3A : vector<1024x768xf32>
    %get3A_85 = arith.constant 0 : index
    %get3A_86 = arith.constant 0 : index
    %get3A_87 = vector.load %arg4[%get3A_85, %get3A_86] : memref<768x768xf32, #tpu.memory_space<vmem>>, vector<768x768xf32>
    %dot_general3A_88 = arith.constant dense<0.000000e+00> : vector<1024x768xf32>
    %dot_general3A_89 = tpu.matmul %mul3A_84, %get3A_87, %dot_general3A_88 {dimension_numbers = #tpu.dot_dimension_numbers<[1], [0], [0], [1], [0, 0, 1, 1], [], []>, transpose_lhs_hint = false} : vector<1024x768xf32>, vector<768x768xf32>, vector<1024x768xf32> -> vector<1024x768xf32>
    %add3A_90 = arith.addf %concatenate3A, %dot_general3A_89 : vector<1024x768xf32>
    %get3A_91 = arith.constant 0 : index
    %get3A_92 = arith.constant 0 : index
    %get3A_93 = vector.load %arg7[%get3A_91, %get3A_92] : memref<768x384xf32, #tpu.memory_space<vmem>>, vector<768x384xf32>
    %dot_general3A_94 = arith.constant dense<0.000000e+00> : vector<1024x384xf32>
    %dot_general3A_95 = tpu.matmul %add3A_90, %get3A_93, %dot_general3A_94 {dimension_numbers = #tpu.dot_dimension_numbers<[1], [0], [0], [1], [0, 0, 1, 1], [], []>, transpose_lhs_hint = false} : vector<1024x768xf32>, vector<768x384xf32>, vector<1024x384xf32> -> vector<1024x384xf32>
    %get3A_96 = arith.constant 0 : index
    %get3A_97 = arith.constant 0 : index
    %get3A_98 = vector.load %arg5[%get3A_96, %get3A_97] : memref<50x384xf32, #tpu.memory_space<vmem>>, vector<50x384xf32>
    %dot_general3A_99 = arith.constant dense<0.000000e+00> : vector<1024x50xf32>
    %dot_general3A_100 = tpu.matmul %dot_general3A_95, %get3A_98, %dot_general3A_99 {dimension_numbers = #tpu.dot_dimension_numbers<[1], [1], [0], [0], [0, 0, 1, 0], [], []>, transpose_lhs_hint = false} : vector<1024x384xf32>, vector<50x384xf32>, vector<1024x50xf32> -> vector<1024x50xf32>
    %mul3A_101 = arith.constant 0.0510310382 : f32
    %mul3A_102 = vector.broadcast %mul3A_101 : f32 to vector<1024x50xf32>
    %mul3A_103 = arith.mulf %dot_general3A_100, %mul3A_102 : vector<1024x50xf32>
    %iota3A = tpu.iota {dimensions = array<i32: 1>} : vector<1024x50xi32>
    %reduce_max3A = arith.constant dense<0xFF800000> : vector<1024xf32>
    %reduce_max3A_104 = vector.multi_reduction <maximumf>, %mul3A_103, %reduce_max3A [1] : vector<1024x50xf32> to vector<1024xf32>
    %broadcast_in_dim3A = vector.shape_cast %reduce_max3A_104 : vector<1024xf32> to vector<1024x1xf32>
    %eq3A_105 = vector.broadcast %broadcast_in_dim3A : vector<1024x1xf32> to vector<1024x50xf32>
    %eq3A_106 = arith.cmpf oeq, %mul3A_103, %eq3A_105 : vector<1024x50xf32>
    %jit3A_107 = arith.constant 50 : i32
    %broadcast_in_dim3A_108 = vector.broadcast %jit3A_107 : i32 to vector<1024x50xi32>
    %select_n3A_109 = arith.select %eq3A_106, %iota3A, %broadcast_in_dim3A_108 : vector<1024x50xi1>, vector<1024x50xi32>
    %reduce_min3A = arith.constant dense<2147483647> : vector<1024xi32>
    %reduce_min3A_110 = vector.multi_reduction <minsi>, %select_n3A_109, %reduce_min3A [1] : vector<1024x50xi32> to vector<1024xi32>
    %broadcast_in_dim3A_111 = vector.shape_cast %reduce_min3A_110 : vector<1024xi32> to vector<1024x1xi32>
    %eq3A_112 = vector.broadcast %broadcast_in_dim3A_111 : vector<1024x1xi32> to vector<1024x50xi32>
    %eq3A_113 = arith.cmpi eq, %iota3A, %eq3A_112 : vector<1024x50xi32>
    %jit3A_114 = arith.constant 0xFF800000 : f32
    %broadcast_in_dim3A_115 = vector.broadcast %jit3A_114 : f32 to vector<1024x50xf32>
    %select_n3A_116 = arith.select %eq3A_113, %broadcast_in_dim3A_115, %mul3A_103 : vector<1024x50xi1>, vector<1024x50xf32>
    %reduce_max3A_117 = arith.constant dense<0xFF800000> : vector<1024xf32>
    %reduce_max3A_118 = vector.multi_reduction <maximumf>, %select_n3A_116, %reduce_max3A_117 [1] : vector<1024x50xf32> to vector<1024xf32>
    %broadcast_in_dim3A_119 = vector.shape_cast %reduce_max3A_118 : vector<1024xf32> to vector<1024x1xf32>
    %eq3A_120 = vector.broadcast %broadcast_in_dim3A_119 : vector<1024x1xf32> to vector<1024x50xf32>
    %eq3A_121 = arith.cmpf oeq, %select_n3A_116, %eq3A_120 : vector<1024x50xf32>
    %jit3A_122 = arith.constant 50 : i32
    %broadcast_in_dim3A_123 = vector.broadcast %jit3A_122 : i32 to vector<1024x50xi32>
    %select_n3A_124 = arith.select %eq3A_121, %iota3A, %broadcast_in_dim3A_123 : vector<1024x50xi1>, vector<1024x50xi32>
    %reduce_min3A_125 = arith.constant dense<2147483647> : vector<1024xi32>
    %reduce_min3A_126 = vector.multi_reduction <minsi>, %select_n3A_124, %reduce_min3A_125 [1] : vector<1024x50xi32> to vector<1024xi32>
    %broadcast_in_dim3A_127 = vector.shape_cast %reduce_min3A_126 : vector<1024xi32> to vector<1024x1xi32>
    %sub3A = arith.subf %broadcast_in_dim3A_119, %broadcast_in_dim3A : vector<1024x1xf32>
    %exp3A_128 = math.exp %sub3A : vector<1024x1xf32>
    %add3A_129 = arith.constant 1.000000e+00 : f32
    %add3A_130 = vector.broadcast %add3A_129 : f32 to vector<1024x1xf32>
    %add3A_131 = arith.addf %add3A_130, %exp3A_128 : vector<1024x1xf32>
    %div3A_132 = arith.constant 1.000000e+00 : f32
    %div3A_133 = vector.broadcast %div3A_132 : f32 to vector<1024x1xf32>
    %div3A_134 = arith.divf %div3A_133, %add3A_131 : vector<1024x1xf32>
    %add3A_135 = arith.constant 1.000000e+00 : f32
    %add3A_136 = vector.broadcast %add3A_135 : f32 to vector<1024x1xf32>
    %add3A_137 = arith.addf %add3A_136, %exp3A_128 : vector<1024x1xf32>
    %div3A_138 = arith.divf %exp3A_128, %add3A_137 : vector<1024x1xf32>
    %eq3A_139 = vector.broadcast %broadcast_in_dim3A_111 : vector<1024x1xi32> to vector<1024x50xi32>
    %eq3A_140 = arith.cmpi eq, %iota3A, %eq3A_139 : vector<1024x50xi32>
    %jit3A_141 = arith.constant 0.000000e+00 : f32
    %broadcast_in_dim3A_142 = vector.shape_cast %div3A_134 : vector<1024x1xf32> to vector<1024x1xf32>
    %broadcast_in_dim3A_143 = vector.broadcast %broadcast_in_dim3A_142 : vector<1024x1xf32> to vector<1024x50xf32>
    %broadcast_in_dim3A_144 = vector.broadcast %jit3A_141 : f32 to vector<1024x50xf32>
    %select_n3A_145 = arith.select %eq3A_140, %broadcast_in_dim3A_143, %broadcast_in_dim3A_144 : vector<1024x50xi1>, vector<1024x50xf32>
    %eq3A_146 = vector.broadcast %broadcast_in_dim3A_127 : vector<1024x1xi32> to vector<1024x50xi32>
    %eq3A_147 = arith.cmpi eq, %iota3A, %eq3A_146 : vector<1024x50xi32>
    %jit3A_148 = arith.constant 0.000000e+00 : f32
    %broadcast_in_dim3A_149 = vector.shape_cast %div3A_138 : vector<1024x1xf32> to vector<1024x1xf32>
    %broadcast_in_dim3A_150 = vector.broadcast %broadcast_in_dim3A_149 : vector<1024x1xf32> to vector<1024x50xf32>
    %broadcast_in_dim3A_151 = vector.broadcast %jit3A_148 : f32 to vector<1024x50xf32>
    %select_n3A_152 = arith.select %eq3A_147, %broadcast_in_dim3A_150, %broadcast_in_dim3A_151 : vector<1024x50xi1>, vector<1024x50xf32>
    %add3A_153 = arith.addf %select_n3A_145, %select_n3A_152 : vector<1024x50xf32>
    %get3A_154 = arith.constant 0 : index
    %get3A_155 = arith.constant 0 : index
    %get3A_156 = vector.load %arg6[%get3A_154, %get3A_155] : memref<50x384xf32, #tpu.memory_space<vmem>>, vector<50x384xf32>
    %dot_general3A_157 = arith.constant dense<0.000000e+00> : vector<1024x384xf32>
    %dot_general3A_158 = tpu.matmul %add3A_153, %get3A_156, %dot_general3A_157 {dimension_numbers = #tpu.dot_dimension_numbers<[1], [0], [0], [1], [0, 0, 1, 1], [], []>, transpose_lhs_hint = false} : vector<1024x50xf32>, vector<50x384xf32>, vector<1024x384xf32> -> vector<1024x384xf32>
    %convert_element_type3A_159 = arith.truncf %dot_general3A_158 : vector<1024x384xf32> to vector<1024x384xbf16>
    %get3A_160 = arith.constant 0 : index
    %get3A_161 = arith.constant 0 : index
    %get3A_162 = vector.load %arg8[%get3A_160, %get3A_161] : memref<384x768xbf16, #tpu.memory_space<vmem>>, vector<384x768xbf16>
    %dot_general3A_163 = arith.constant dense<0.000000e+00> : vector<1024x768xf32>
    %dot_general3A_164 = tpu.matmul %convert_element_type3A_159, %get3A_162, %dot_general3A_163 {dimension_numbers = #tpu.dot_dimension_numbers<[1], [0], [0], [1], [0, 0, 1, 1], [], []>, transpose_lhs_hint = false} : vector<1024x384xbf16>, vector<384x768xbf16>, vector<1024x768xf32> -> vector<1024x768xf32>
    %add3A_165 = arith.addf %add3A_90, %dot_general3A_164 : vector<1024x768xf32>
    %get3A_166 = arith.constant 0 : index
    %get3A_167 = arith.constant 0 : index
    %get3A_168 = vector.load %arg9[%get3A_166, %get3A_167] : memref<1000x768xbf16, #tpu.memory_space<vmem>>, vector<1000x768xbf16>
    %convert_element_type3A_169 = arith.truncf %add3A_165 : vector<1024x768xf32> to vector<1024x768xbf16>
    %dot_general3A_170 = arith.constant dense<0.000000e+00> : vector<1000x1024xf32>
    %dot_general3A_171 = tpu.matmul %get3A_168, %convert_element_type3A_169, %dot_general3A_170 {dimension_numbers = #tpu.dot_dimension_numbers<[1], [1], [0], [0], [0, 0, 1, 0], [], []>, transpose_lhs_hint = false} : vector<1000x768xbf16>, vector<1024x768xbf16>, vector<1000x1024xf32> -> vector<1000x1024xf32>
    %get3A_172 = arith.constant 0 : index
    %get3A_173 = arith.constant 0 : index
    %get3A_174 = vector.load %arg10[%get3A_172, %get3A_173] : memref<1000x1xf32, #tpu.memory_space<vmem>>, vector<1000x1xf32>
    %add3A_175 = vector.broadcast %get3A_174 : vector<1000x1xf32> to vector<1000x1024xf32>
    %add3A_176 = arith.addf %dot_general3A_171, %add3A_175 : vector<1000x1024xf32>
    %reshape3A_177 = vector.shape_cast %add3A_176 : vector<1000x1024xf32> to vector<1x1000x1024xf32>
    %swap3A_178 = arith.constant 0 : index
    %swap3A_179 = arith.constant 0 : index
    %swap3A_180 = arith.constant 0 : index
    %swap3A_181 = vector.load %arg11[%swap3A_178, %swap3A_179, %swap3A_180] : memref<1x1000x1024xf32, #tpu.memory_space<vmem>>, vector<1x1000x1024xf32>
    tpu.vector_store %arg11[%swap3A_178, %swap3A_179, %swap3A_180], %reshape3A_177 {strides = array<i32>} : memref<1x1000x1024xf32, #tpu.memory_space<vmem>>, vector<1x1000x1024xf32>,
    return
  }
  func.func @transform_0(%arg0: i32) -> (i32, i32, i32, i32) {
    %c0_i32 = arith.constant 0 : i32
    %c0_i32_0 = arith.constant 0 : i32
    %c0_i32_1 = arith.constant 0 : i32
    %c0_i32_2 = arith.constant 0 : i32
    return %arg0, %c0_i32, %c0_i32_0, %c0_i32_1 : i32, i32, i32, i32
  }
  func.func @transform_1(%arg0: i32) -> (i32, i32) {
    %c0_i32 = arith.constant 0 : i32
    %c0_i32_0 = arith.constant 0 : i32
    %c0_i32_1 = arith.constant 0 : i32
    return %c0_i32, %c0_i32_0 : i32, i32
  }
  func.func @transform_2(%arg0: i32) -> (i32, i32) {
    %c0_i32 = arith.constant 0 : i32
    %c0_i32_0 = arith.constant 0 : i32
    %c0_i32_1 = arith.constant 0 : i32
    return %c0_i32, %c0_i32_0 : i32, i32
  }
  func.func @transform_3(%arg0: i32) -> (i32, i32) {
    %c0_i32 = arith.constant 0 : i32
    %c0_i32_0 = arith.constant 0 : i32
    %c0_i32_1 = arith.constant 0 : i32
    return %c0_i32, %c0_i32_0 : i32, i32
  }
  func.func @transform_4(%arg0: i32) -> (i32, i32) {
    %c0_i32 = arith.constant 0 : i32
    %c0_i32_0 = arith.constant 0 : i32
    %c0_i32_1 = arith.constant 0 : i32
    return %c0_i32, %c0_i32_0 : i32, i32
  }
  func.func @transform_5(%arg0: i32) -> (i32, i32) {
    %c0_i32 = arith.constant 0 : i32
    %c0_i32_0 = arith.constant 0 : i32
    %c0_i32_1 = arith.constant 0 : i32
    return %c0_i32, %c0_i32_0 : i32, i32
  }
  func.func @transform_6(%arg0: i32) -> (i32, i32) {
    %c0_i32 = arith.constant 0 : i32
    %c0_i32_0 = arith.constant 0 : i32
    %c0_i32_1 = arith.constant 0 : i32
    return %c0_i32, %c0_i32_0 : i32, i32
  }
  func.func @transform_7(%arg0: i32) -> (i32, i32) {
    %c0_i32 = arith.constant 0 : i32
    %c0_i32_0 = arith.constant 0 : i32
    %c0_i32_1 = arith.constant 0 : i32
    return %c0_i32, %c0_i32_0 : i32, i32
  }
  func.func @transform_8(%arg0: i32) -> (i32, i32) {
    %c0_i32 = arith.constant 0 : i32
    %c0_i32_0 = arith.constant 0 : i32
    %c0_i32_1 = arith.constant 0 : i32
    return %c0_i32, %c0_i32_0 : i32, i32
  }
  func.func @transform_9(%arg0: i32) -> (i32, i32) {
    %c0_i32 = arith.constant 0 : i32
    %c0_i32_0 = arith.constant 0 : i32
    %c0_i32_1 = arith.constant 0 : i32
    return %c0_i32, %c0_i32_0 : i32, i32
  }
  func.func @transform_10(%arg0: i32) -> (i32, i32, i32) {
    %jit3A = arith.constant 2 : i32
    %div3A = arith.divsi %arg0, %jit3A : i32
    %sign3A = arith.constant 0 : i32
    %sign3A_0 = arith.cmpi sgt, %arg0, %sign3A : i32
    %sign3A_1 = arith.extui %sign3A_0 : i1 to i32
    %sign3A_2 = arith.constant 0 : i32
    %sign3A_3 = arith.cmpi slt, %arg0, %sign3A_2 : i32
    %sign3A_4 = arith.extui %sign3A_3 : i1 to i32
    %sign3A_5 = arith.subi %sign3A_1, %sign3A_4 : i32
    %sign3A_6 = arith.constant 0 : i32
    %sign3A_7 = arith.cmpi sgt, %jit3A, %sign3A_6 : i32
    %sign3A_8 = arith.extui %sign3A_7 : i1 to i32
    %sign3A_9 = arith.constant 0 : i32
    %sign3A_10 = arith.cmpi slt, %jit3A, %sign3A_9 : i32
    %sign3A_11 = arith.extui %sign3A_10 : i1 to i32
    %sign3A_12 = arith.subi %sign3A_8, %sign3A_11 : i32
    %ne3A = arith.cmpi ne, %sign3A_5, %sign3A_12 : i32
    %rem3A = arith.remsi %arg0, %jit3A : i32
    %ne3A_13 = arith.constant 0 : i32
    %ne3A_14 = arith.cmpi ne, %rem3A, %ne3A_13 : i32
    %and3A = arith.andi %ne3A, %ne3A_14 : i1
    %sub3A = arith.constant 1 : i32
    %sub3A_15 = arith.subi %div3A, %sub3A : i32
    %select_n3A = arith.select %and3A, %sub3A_15, %div3A : i32
    %jit3A_16 = arith.constant 2 : i32
    %eq3A = arith.constant 0 : i32
    %eq3A_17 = arith.cmpi eq, %jit3A_16, %eq3A : i32
    %jit3A_18 = arith.constant 1 : i32
    %select_n3A_19 = arith.select %eq3A_17, %jit3A_18, %jit3A_16 : i32
    %rem3A_20 = arith.remsi %arg0, %select_n3A_19 : i32
    %ne3A_21 = arith.constant 0 : i32
    %ne3A_22 = arith.cmpi ne, %rem3A_20, %ne3A_21 : i32
    %lt3A = arith.constant 0 : i32
    %lt3A_23 = arith.cmpi slt, %rem3A_20, %lt3A : i32
    %lt3A_24 = arith.constant 0 : i32
    %lt3A_25 = arith.cmpi slt, %select_n3A_19, %lt3A_24 : i32
    %ne3A_26 = arith.xori %lt3A_23, %lt3A_25 : i1
    %and3A_27 = arith.andi %ne3A_26, %ne3A_22 : i1
    %add3A = arith.addi %rem3A_20, %select_n3A_19 : i32
    %select_n3A_28 = arith.select %and3A_27, %add3A, %rem3A_20 : i32
    %c0_i32 = arith.constant 0 : i32
    %c0_i32_29 = arith.constant 0 : i32
    return %select_n3A, %c0_i32, %select_n3A_28 : i32, i32, i32
  }
}

</mosaic_0001>

<sc_bundles>
// kernel: kernel.4.cloned.1.call-start
scs
__scs_entry_jumppad:
0x0: {  	(pc) =	sbr.rel $0x88, $3  }
0x1: {  	(tag) =	ssettag $0x0;
	lr =	simm.s32 $0x1  }
0x2: {  	[smem:$0x3F94] =	sst lr;
	_ =	strace $0xD0000000  }
0x3: {  	_ = 	snop  }
0x4: {  	_ = 	snop  }
0x5: {  	_ = 	snop  }
0x6: {  	_ = 	snop  }
0x7: {  	_ = 	snop  }
__scs_overlays_trampoline_lowered:
0x8: {  	[smem:$0x3FA3] =	sst s0  }
0x9: {  	[smem:$0x3FA4] =	sst s1  }
0xa: {  	[smem:$0x3FA5] =	sst s2  }
0xb: {  	[smem:$0x3FA6] =	sst s3  }
0xc: {  	[smem:$0x3FA7] =	sst s4  }
0xd: {  	[smem:$0x3FA8] =	sst s5  }
0xe: {  	[smem:$0x3FA9] =	sst s6  }
0xf: {  	[smem:$0x3FAA] =	sst s7  }
0x10: {  	[smem:$0x3FAB] =	sst s8  }
0x11: {  	[smem:$0x3FAC] =	sst s9;
	s0 =	simm.s32 @!p0 $0x0  }
0x12: {  	s1 =	sld [smem:$0x3F92];
	s0 =	simm.s32 @p0 $0x1  }
0x13: {  	[smem:$0x3FAD] =	sst s0;
	s0 =	simm.s32 @!p1 $0x0  }
0x14: {  	s2 =	sld [smem:$0x3F91];
	s0 =	simm.s32 @p1 $0x1  }
0x15: {  	[smem:$0x3FAE] =	sst s0;
	s0 =	simm.s32 @!p2 $0x0  }
0x16: {  	s3 =	sld [smem:$0x3FDB];
	s0 =	simm.s32 @p2 $0x1  }
0x17: {  	s4 =	simm.s32 $0x1BF5;
	[smem:$0x3FB0] =	sst s0  }
0x18: {  	s0 =	sld [smem:$0x3F93];
	_ =	swait.ge [sflag:s4], $0x0  }
0x19: {  	s7 =	sld [smem:$0x3F94]  }
0x1a: {  	s8 =	sadd.s32 $0xFFFFE003, lr  }
0x1b: {  	s9 =	sadd.s32 $0xFFFFFEF7, lr;
	s5 =	simm.s32 $0xFFFFFFFF;
	p2 =	slt.u32 s8, $0xFFFFF086  }
0x1c: {  	p1 =	slt.u32 s9, $0xF7A;
	s5 =	simm.s32 @!p2 $0x0  }
0x1d: {  	s5 =	simm.s32 @p1 $0x1;
	p0 =	seq.s32 s7, s2  }
0x1e: {  	s7 =	smul.u32 @!p0 $0xF7A, s2;
	p2 =	seq.s32 @!p0 s5, $0x0  }
0x1f: {  	s9 =	smul.u32 $0xF7A, s1;
	s8 =	simm.s32 @!p0 $0x1BF5;
	p2 =	por !p2, p0  }
0x20: {  	[sflag:s8] =	ssyncset.s32 @!p0 $0xFFFFF086;
	s6 =	sadd.s32 @!p0 s3, s7;
	s7 =	simm.s32 @!p0 $0x108  }
0x21: {  	s3 =	sadd.s32 s3, s9;
	s6 =	sadd.s32 @!p0 $0x88, s6;
	s7 =	simm.s32 @p2 $0x1082  }
0x22: {  	[simem:s7], [sflag:s8] =	dma.local @!p0 [hbm:s6], $0xF7A  }
0x23: {  	s9 =	sor.u32 $0xD0000000, s2;
	s6 =	simm.s32 $0x108;
	_ =	swait.ge @!p0 [sflag:s8], $0x0  }
0x24: {  	s3 =	sadd.s32 $0x88, s3;
	s6 =	simm.s32 @!p1 $0x1082;
	[sflag:s4] =	ssyncset.s32 $0xFFFFF086  }
0x25: {  	[simem:s6], [sflag:s4] =	dma.local [hbm:s3], $0xF7A  }
0x26: {  	[smem:$0x3F94] =	sst s1;
	(tag) =	ssettag s2;
	_ =	strace s9  }
0x27: {  	s1 =	sld [smem:$0x3FA4]  }
0x28: {  	s2 =	sld [smem:$0x3FA5]  }
0x29: {  	s4 =	sld [smem:$0x3FA7]  }
0x2a: {  	p0 =	seq.s32 s5, $0x0;
	s5 =	sld [smem:$0x3FA8]  }
0x2b: {  	s6 =	sld [smem:$0x3FA9]  }
0x2c: {  	s7 =	sld [smem:$0x3FAA]  }
0x2d: {  	s3 =	simm.s32 $0x108;
	s8 =	sld [smem:$0x3FAB]  }
0x2e: {  	s3 =	simm.s32 @!p0 $0x1082;
	s9 =	sld [smem:$0x3FAC]  }
0x2f: {  	lr =	sadd.s32 s0, s3;
	s0 =	sld [smem:$0x3FA3]  }
0x30: {  	s3 =	sld [smem:$0x3FA6]  }
0x31: {  	[smem:$0x3FAF] =	sst s10  }
0x32: {  	s10 =	sld [smem:$0x3FAD];
	_ =	sdelay $0x3  }
0x33: {  	p0 =	seq.s32 s10, $0x1;
	s10 =	sld [smem:$0x3FAF];
	_ =	sdelay $0x3  }
0x34: {  	[smem:$0x3FAF] =	sst s10  }
0x35: {  	s10 =	sld [smem:$0x3FAE];
	_ =	sdelay $0x3  }
0x36: {  	p1 =	seq.s32 s10, $0x1;
	s10 =	sld [smem:$0x3FAF];
	_ =	sdelay $0x3  }
0x37: {  	[smem:$0x3FAF] =	sst s10  }
0x38: {  	s10 =	sld [smem:$0x3FB0]  }
0x39: {  	_ = 	snop;
	(pc) =	sbr.ind lr, $3  }
0x3a: {  	_ = 	snop  }
0x3b: {  	_ = 	snop  }
0x3c: {  	p2 =	seq.s32 s10, $0x1;
	s10 =	sld [smem:$0x3FAF]  }
0x3d: {  	_ =	shalt  }
0x3e: {  	_ =	shalt  }
0x3f: {  	_ =	shalt  }
0x40: {  	_ =	shalt  }
0x41: {  	_ =	shalt  }
0x42: {  	_ =	shalt  }
0x43: {  	_ =	shalt  }
0x44: {  	_ =	shalt  }
0x45: {  	_ =	shalt  }
0x46: {  	_ =	shalt  }
0x47: {  	_ =	shalt  }
0x48: {  	_ =	shalt  }
0x49: {  	_ =	shalt  }
0x4a: {  	_ =	shalt  }
0x4b: {  	_ =	shalt  }
0x4c: {  	_ =	shalt  }
0x4d: {  	_ =	shalt  }
0x4e: {  	_ =	shalt  }
0x4f: {  	_ =	shalt  }
0x50: {  	_ =	shalt  }
0x51: {  	_ =	shalt  }
0x52: {  	_ =	shalt  }
0x53: {  	_ =	shalt  }
0x54: {  	_ =	shalt  }
0x55: {  	_ =	shalt  }
0x56: {  	_ =	shalt  }
0x57: {  	_ =	shalt  }
0x58: {  	_ =	shalt  }
0x59: {  	_ =	shalt  }
0x5a: {  	_ =	shalt  }
0x5b: {  	_ =	shalt  }
0x5c: {  	_ =	shalt  }
0x5d: {  	_ =	shalt  }
0x5e: {  	_ =	shalt  }
0x5f: {  	_ =	shalt  }
0x60: {  	_ =	shalt  }
0x61: {  	_ =	shalt  }
0x62: {  	_ =	shalt  }
0x63: {  	_ =	shalt  }
0x64: {  	_ =	shalt  }
0x65: {  	_ =	shalt  }
0x66: {  	_ =	shalt  }
0x67: {  	_ =	shalt  }
0x68: {  	_ =	shalt  }
0x69: {  	_ =	shalt  }
0x6a: {  	_ =	shalt  }
0x6b: {  	_ =	shalt  }
0x6c: {  	_ =	shalt  }
0x6d: {  	_ =	shalt  }
0x6e: {  	_ =	shalt  }
0x6f: {  	_ =	shalt  }
0x70: {  	_ =	shalt  }
0x71: {  	_ =	shalt  }
0x72: {  	_ =	shalt  }
0x73: {  	_ =	shalt  }
0x74: {  	_ =	shalt  }
0x75: {  	_ =	shalt  }
0x76: {  	_ =	shalt  }
0x77: {  	_ =	shalt  }
0x78: {  	_ =	shalt  }
0x79: {  	_ =	shalt  }
0x7a: {  	_ =	shalt  }
0x7b: {  	_ =	shalt  }
0x7c: {  	_ =	shalt  }
0x7d: {  	_ =	shalt  }
0x7e: {  	_ =	shalt  }
0x7f: {  	_ =	shalt  }
0x80: {  	_ =	shalt  }
0x81: {  	_ =	shalt  }
0x82: {  	_ =	shalt  }
0x83: {  	_ =	shalt  }
0x84: {  	_ =	shalt  }
0x85: {  	_ =	shalt  }
0x86: {  	_ =	shalt  }
0x87: {  	_ =	shalt  }
.Lfunc_end0:
.L_simem_size_0:
called_computation_lowered:
.L_overlay_start_0:
0x88: {  	s2 =	sld [smem:$0x3FD9]  }
0x89: {  	s3 =	sld [smem:$0x3FFE];
	_ =	sdelay $0x1  }
0x8a: {  	s1 =	srdreg.scid  }
0x8b: {  	s0 =	sand.u32 $0x1, s1  }
0x8c: {  	s17 =	sshll.u32 s0, $0xA;
	s2 =	sadd.s32 s3, s2  }
0x8d: {  	s2 =	sadd.s32 s2, s17  }
0x8e: {  	[smem:$0x3FBB] =	sst s2  }
0x8f: {  	_ = 	snop  }
0x90: {  	s2 =	sld [smem:$0x3FD0];
	(tm) =	ssettm $0x1  }
0x91: {  	s18 =	sld [smem:$0x3FFB];
	_ =	sdelay $0x3  }
0x92: {  	_ =	strace s18  }
0x93: {  	s3 =	sld [smem:$0x3FFC];
	_ =	sdelay $0x3  }
0x94: {  	_ =	strace s3  }
0x95: {  	s3 =	sld [smem:$0x3FFD];
	_ =	sdelay $0x3  }
0x96: {  	_ =	strace s3  }
0x97: {  	_ =	strace $0x8FFFFFFF  }
0x98: {  	s19 =	sld [smem:$0x3FDB];
	_ =	sdelay $0x1  }
0x99: {  	s4 =	simm.s32 $_scs_section_size  }
0x9a: {  	s5 =	simm.s32 $_size__tile_overlayer_lowered;
	s6 =	simm.s32 $_tile_overlayer_lowered  }
0x9b: {  	s22 =	simm.s32 $0x1BFF;
	s21 =	sshll.u32 s6, $0x1;
	s3 =	sadd.s32 s4, s19  }
0x9c: {  	s7 =	simm.s32 $0x0;
	s20 =	sshll.u32 s5, $0x1;
	s5 =	sadd.s32 s21, s3  }
0x9d: {  	[timem:s7], [sflag:s22] =	dma.local [hbm:s5], s20  }
0x9e: {  	_ =	swait.ge [sflag:s22], s20  }
0x9f: {  	s4 =	ssub.s32 $0x0, s20;
	[sflag:s22] =	ssyncset.done $0x0  }
0xa0: {  	[sflag:s22] =	ssyncadd.s32 s4;
	_ =	sdelay $0x1  }
0xa1: {  	s23 =	simm.s32 $0x1B8B  }
0xa2: {  	_ =	swait.ge [sflag:s23], $0x1  }
0xa3: {  	[sflag:s23] =	ssyncset.done $0x0  }
0xa4: {  	s25 =	simm.s32 $0x1B8E;
	s24 =	sld [smem:$0x3FFE];
	[sflag:s23] =	ssyncadd.s32 $0xFFFFFFFF  }
0xa5: {  	s26 =	simm.s32 $execute0_lowered;
	[smem:$0x3FD2] =	sst s25  }
0xa6: {  	s5 =	sshll.u32 s26, $0x1;
	_ =	strace $0x80000046;
	[dreg:$0x1] =	wrdreg $0xFFFFFFFF  }
0xa7: {  	s28 =	simm.s32 $_size_execute0_lowered;
	s3 =	sadd.s32 s3, s5;
	[dreg:$0x0] =	wrdreg $0x0  }
0xa8: {  	s5 =	sshll.u32 s28, $0x1;
	[dreg:$0x2] =	wrdreg s3  }
0xa9: {  	[dreg:$0x3] =	wrdreg s5  }
0xaa: {  	[dreg:$0x4] =	wrdreg $0xC0  }
0xab: {  	_ =	task [dreg:s7], $0x5FFFF  }
0xac: {  	[dreg:$0x1] =	wrdreg $0xFFFFFFFF  }
0xad: {  	[dreg:$0x0] =	wrdreg $0x60  }
0xae: {  	[dreg:$0x2] =	wrdreg s24  }
0xaf: {  	[dreg:$0x3] =	wrdreg s2  }
0xb0: {  	[dreg:$0x4] =	wrdreg $0x9  }
0xb1: {  	_ =	task.clear_ibuf [dreg:s7], $0x5FFFF;
	_ =	strace $0x90000046  }
0xb2: {  	s29 =	simm.s32 $0x9;
	_ =	strace $0x80000048  }
0xb3: {  	_ =	swait.ge [sflag:s29], $0x1  }
0xb4: {  	[sflag:s29] =	ssyncadd.s32 $0xFFFFFFFF  }
0xb5: {  	_ =	strace $0x90000048  }
0xb6: {  	_ =	sfence  }
0xb7: {  	s30 =	sld [smem:$0x0];
	_ =	sdelay $0x2  }
0xb8: {  	s31 =	sshll.u32 s1, $0xD;
	s1 =	sshrl.u32 s1, $0x2  }
0xb9: {  	s3 =	sand.u32 $0x4000, s31;
	s1 =	sadd.s32 s1, s30  }
0xba: {  	s0 =	sor.u32 s3, s0;
	s1 =	sshll.u32 s1, $0x11  }
0xbb: {  	s0 =	sor.u32 s1, s0  }
0xbc: {  	s0 =	sadd.s32 $0x8F2B, s0  }
0xbd: {  	[sflag:s0] =	ssyncadd.remote.s32 $0x1  }
0xbe: {  	_ =	sfence.sel $0xFFFF  }
0xbf: {  	[dreg:$0x0] =	wrdreg $0xFFFFFFFF;
	(pc) =	sbr.abs _section_cstart, $3  }
0xc0: {  	[dreg:$0x1] =	wrdreg $0xFFFFFFFF  }
0xc1: {  	_ =	task.clear_ibuf [dreg:s7], $0x2FFFF;
	_ =	strace $0x9FFFFFFF  }
0xc2: {  	(tm) =	ssettm $0x7FFFFFFF  }
0xc3: {  	_ =	shalt  }
tec
execute0_lowered:
.L_overlay_start_1:
0x0: {  	(tag) =	ssettag $0x1  }
0x1: {  	s1 =	srdreg.scid;
	s0 =	stileid.u32  }
0x2: {  	s24 =	sand.u32 $0x1, s1;
	s31 =	sshll.u32 s0, $0x1  }
0x3: {  	s25 =	sor.u32 s24, s31  }
0x4: {  	s23 =	rddreg [dreg:$0x0];
	s4 =	smul.u32 $0x300, s25  }
0x5: {  	s2 =	rddreg [dreg:$0x1]  }
0x6: {  	s3 =	simm.s32 $0x0;
	s1 =	rddreg [dreg:$0x2];
	s4 =	sshrl.u32 s4, $0x3  }
0x7: {  	[smem:$0x7FF] =	sst s3;
	s14 =	sadd.s32 s4, s23  }
0x8: {  	_ =	strace $0x80000047;
	s4 =	simm.s32 $0x2;
	s5 =	sadd.s32 $0x1C00, s14  }
0x9: {  	[tilespmem:s3], [sflag:$0x2] =	stream.linear.gather [hbm4b:s5+s3], $0x80, $0x38;
	[tilespmem:$0x18400] =	vst v63  }
0xa: {  	_ =	swait.ge [sflag:s4], $0x80  }
0xb: {  	[sflag:s4] =	ssyncset.done $0x0  }
0xc: {  	s7 =	simm.s32 $0x80;
	s6 =	sadd.s32 $0x1C10, s14;
	[sflag:s4] =	ssyncadd.s32 $0xFFFFFF80  }
0xd: {  	[tilespmem:s7], [sflag:$0x2] =	stream.linear.gather [hbm4b:s6+s3], $0x80, $0x38;
	[tilespmem:$0x18400] =	vst v63  }
0xe: {  	_ =	swait.ge [sflag:s4], $0x80  }
0xf: {  	[sflag:s4] =	ssyncset.done $0x0  }
0x10: {  	s9 =	simm.s32 $0x100;
	s8 =	sadd.s32 $0x1C20, s14;
	[sflag:s4] =	ssyncadd.s32 $0xFFFFFF80  }
0x11: {  	[tilespmem:s9], [sflag:$0x2] =	stream.linear.gather [hbm4b:s8+s3], $0x80, $0x38;
	[tilespmem:$0x18400] =	vst v63  }
0x12: {  	_ =	swait.ge [sflag:s4], $0x80  }
0x13: {  	[sflag:s4] =	ssyncset.done $0x0  }
0x14: {  	s11 =	simm.s32 $0x180;
	s10 =	sadd.s32 $0x1C30, s14;
	[sflag:s4] =	ssyncadd.s32 $0xFFFFFF80  }
0x15: {  	[tilespmem:s11], [sflag:$0x2] =	stream.linear.gather [hbm4b:s10+s3], $0x80, $0x38;
	[tilespmem:$0x18400] =	vst v63  }
0x16: {  	_ =	swait.ge [sflag:s4], $0x80  }
0x17: {  	[sflag:s4] =	ssyncset.done $0x0  }
0x18: {  	s13 =	simm.s32 $0x200;
	s12 =	sadd.s32 $0x1C40, s14;
	[sflag:s4] =	ssyncadd.s32 $0xFFFFFF80  }
0x19: {  	[tilespmem:s13], [sflag:$0x2] =	stream.linear.gather [hbm4b:s12+s3], $0x80, $0x38;
	[tilespmem:$0x18400] =	vst v63  }
0x1a: {  	_ =	swait.ge [sflag:s4], $0x80  }
0x1b: {  	[sflag:s4] =	ssyncset.done $0x0  }
0x1c: {  	s15 =	simm.s32 $0x280;
	s14 =	sadd.s32 $0x1C50, s14;
	[sflag:s4] =	ssyncadd.s32 $0xFFFFFF80  }
0x1d: {  	[tilespmem:s15], [sflag:$0x2] =	stream.linear.gather [hbm4b:s14+s3], $0x80, $0x38;
	[tilespmem:$0x18400] =	vst v63  }
0x1e: {  	_ =	swait.ge [sflag:s4], $0x80  }
0x1f: {  	[sflag:s4] =	ssyncset.done $0x0  }
0x20: {  	s16 =	simm.s32 $0x400;
	[sflag:s4] =	ssyncadd.s32 $0xFFFFFF80  }
0x21: {  	[tilespmem:s16], [sflag:$0x1] =	stream.indirect.gather [hbm4b:s2+s7], $0x80, s3, s7, $0xb8;
	[tilespmem:$0x18400] =	vst v63  }
0x22: {  	s17 =	simm.s32 $0x4400  }
0x23: {  	[tilespmem:s17], [sflag:$0x1] =	stream.indirect.gather [hbm4b:s2+s7], $0x80, s7, s7, $0xb8;
	[tilespmem:$0x18400] =	vst v63  }
0x24: {  	s18 =	simm.s32 $0x8400  }
0x25: {  	[tilespmem:s18], [sflag:$0x1] =	stream.indirect.gather [hbm4b:s2+s7], $0x80, s9, s7, $0xb8;
	[tilespmem:$0x18400] =	vst v63  }
0x26: {  	s19 =	simm.s32 $0xC400  }
0x27: {  	[tilespmem:s19], [sflag:$0x1] =	stream.indirect.gather [hbm4b:s2+s7], $0x80, s11, s7, $0xb8;
	[tilespmem:$0x18400] =	vst v63  }
0x28: {  	s20 =	simm.s32 $0x10400  }
0x29: {  	[tilespmem:s20], [sflag:$0x1] =	stream.indirect.gather [hbm4b:s2+s7], $0x80, s13, s7, $0xb8;
	[tilespmem:$0x18400] =	vst v63  }
0x2a: {  	s21 =	simm.s32 $0x14400;
	s22 =	simm.s32 $0x1  }
0x2b: {  	[tilespmem:s21], [sflag:$0x1] =	stream.indirect.gather [hbm4b:s2+s7], $0x80, s15, s7, $0xb8;
	[tilespmem:$0x18400] =	vst v63  }
0x2c: {  	_ =	swait.ge [sflag:s22], $0x4000  }
0x2d: {  	[sflag:s22] =	ssyncset.done $0x0  }
0x2e: {  	[sflag:s22] =	ssyncadd.s32 $0xFFFFC000  }
0x2f: {  	_ =	swait.ge [sflag:s22], $0x4000  }
0x30: {  	[sflag:s22] =	ssyncset.done $0x0  }
0x31: {  	[sflag:s22] =	ssyncadd.s32 $0xFFFFC000  }
0x32: {  	_ =	swait.ge [sflag:s22], $0x4000  }
0x33: {  	[sflag:s22] =	ssyncset.done $0x0  }
0x34: {  	[sflag:s22] =	ssyncadd.s32 $0xFFFFC000  }
0x35: {  	_ =	swait.ge [sflag:s22], $0x4000  }
0x36: {  	[sflag:s22] =	ssyncset.done $0x0  }
0x37: {  	s24 =	ssub.s32 $0x2, s24;
	[sflag:s22] =	ssyncadd.s32 $0xFFFFC000  }
0x38: {  	s26 =	sshrl.u32 s24, $0x1;
	_ =	swait.ge [sflag:s22], $0x4000  }
0x39: {  	s24 =	ssub.s32 s24, s26;
	[sflag:s22] =	ssyncset.done $0x0  }
0x3a: {  	s25 =	smul.u32 $0x3000, s25;
	s24 =	smax.u32 s24, $0x1;
	[sflag:s22] =	ssyncadd.s32 $0xFFFFC000  }
0x3b: {  	p0 =	sne.s32 s24, $0x1;
	_ =	swait.ge [sflag:s22], $0x4000  }
.Ltmp0:
0x3c: {  	s23 =	sadd.s32 s25, s23;
	[sflag:s22] =	ssyncset.done $0x0;
	(pc) =	sbr.rel @!p0 .LBB2_2-.Ltmp0, $4  }
0x3d: {  	s23 =	sadd.s32 $0x2800, s23;
	[sflag:s22] =	ssyncadd.s32 $0xFFFFC000  }
0x3e: {  	[hbm4b:s23+s3] =	stream.linear.scatter [tilespmem:s16], [sflag:$0x2], $0x18000, $0x38;
	[tilespmem:$0x18400] =	vst v63  }
0x3f: {  	_ =	swait.ge [sflag:s4], $0x18000  }
0x40: {  	s24 =	sadd.s32 $0xFFFFFFFF, s24;
	[sflag:s4] =	ssyncset.done $0x0  }
.LBB2_1:
0x41: {  	p0 =	sne.s32 s24, $0x1;
	s24 =	sadd.s32 $0xFFFFFFFF, s24;
	[sflag:s4] =	ssyncadd.s32 $0xFFFE8000  }
0x42: {  	[tilespmem:s3], [sflag:$0x2] =	stream.linear.gather [hbm4b:s5+s3], $0x80, $0x38;
	[tilespmem:$0x18400] =	vst v63  }
0x43: {  	_ =	swait.ge [sflag:s4], $0x80  }
0x44: {  	[sflag:s4] =	ssyncset.done $0x0  }
0x45: {  	[sflag:s4] =	ssyncadd.s32 $0xFFFFFF80  }
0x46: {  	[tilespmem:s7], [sflag:$0x2] =	stream.linear.gather [hbm4b:s6+s3], $0x80, $0x38;
	[tilespmem:$0x18400] =	vst v63  }
0x47: {  	_ =	swait.ge [sflag:s4], $0x80  }
0x48: {  	[sflag:s4] =	ssyncset.done $0x0  }
0x49: {  	[sflag:s4] =	ssyncadd.s32 $0xFFFFFF80  }
0x4a: {  	[tilespmem:s9], [sflag:$0x2] =	stream.linear.gather [hbm4b:s8+s3], $0x80, $0x38;
	[tilespmem:$0x18400] =	vst v63  }
0x4b: {  	_ =	swait.ge [sflag:s4], $0x80  }
0x4c: {  	[sflag:s4] =	ssyncset.done $0x0  }
0x4d: {  	[sflag:s4] =	ssyncadd.s32 $0xFFFFFF80  }
0x4e: {  	[tilespmem:s11], [sflag:$0x2] =	stream.linear.gather [hbm4b:s10+s3], $0x80, $0x38;
	[tilespmem:$0x18400] =	vst v63  }
0x4f: {  	_ =	swait.ge [sflag:s4], $0x80  }
0x50: {  	[sflag:s4] =	ssyncset.done $0x0  }
0x51: {  	[sflag:s4] =	ssyncadd.s32 $0xFFFFFF80  }
0x52: {  	[tilespmem:s13], [sflag:$0x2] =	stream.linear.gather [hbm4b:s12+s3], $0x80, $0x38;
	[tilespmem:$0x18400] =	vst v63  }
0x53: {  	_ =	swait.ge [sflag:s4], $0x80  }
0x54: {  	[sflag:s4] =	ssyncset.done $0x0  }
0x55: {  	[sflag:s4] =	ssyncadd.s32 $0xFFFFFF80  }
0x56: {  	[tilespmem:s15], [sflag:$0x2] =	stream.linear.gather [hbm4b:s14+s3], $0x80, $0x38;
	[tilespmem:$0x18400] =	vst v63  }
0x57: {  	_ =	swait.ge [sflag:s4], $0x80  }
0x58: {  	[sflag:s4] =	ssyncset.done $0x0  }
0x59: {  	[sflag:s4] =	ssyncadd.s32 $0xFFFFFF80  }
0x5a: {  	[tilespmem:s16], [sflag:$0x1] =	stream.indirect.gather [hbm4b:s2+s7], $0x80, s3, s7, $0xb8;
	[tilespmem:$0x18400] =	vst v63  }
0x5b: {  	_ = 	snop  }
0x5c: {  	[tilespmem:s17], [sflag:$0x1] =	stream.indirect.gather [hbm4b:s2+s7], $0x80, s7, s7, $0xb8;
	[tilespmem:$0x18400] =	vst v63  }
0x5d: {  	_ = 	snop  }
0x5e: {  	[tilespmem:s18], [sflag:$0x1] =	stream.indirect.gather [hbm4b:s2+s7], $0x80, s9, s7, $0xb8;
	[tilespmem:$0x18400] =	vst v63  }
0x5f: {  	_ = 	snop  }
0x60: {  	[tilespmem:s19], [sflag:$0x1] =	stream.indirect.gather [hbm4b:s2+s7], $0x80, s11, s7, $0xb8;
	[tilespmem:$0x18400] =	vst v63  }
0x61: {  	_ = 	snop  }
0x62: {  	[tilespmem:s20], [sflag:$0x1] =	stream.indirect.gather [hbm4b:s2+s7], $0x80, s13, s7, $0xb8;
	[tilespmem:$0x18400] =	vst v63  }
0x63: {  	_ = 	snop  }
0x64: {  	[tilespmem:s21], [sflag:$0x1] =	stream.indirect.gather [hbm4b:s2+s7], $0x80, s15, s7, $0xb8;
	[tilespmem:$0x18400] =	vst v63  }
0x65: {  	_ =	swait.ge [sflag:s22], $0x4000  }
0x66: {  	[sflag:s22] =	ssyncset.done $0x0  }
0x67: {  	[sflag:s22] =	ssyncadd.s32 $0xFFFFC000  }
0x68: {  	_ =	swait.ge [sflag:s22], $0x4000  }
0x69: {  	[sflag:s22] =	ssyncset.done $0x0  }
0x6a: {  	[sflag:s22] =	ssyncadd.s32 $0xFFFFC000  }
0x6b: {  	_ =	swait.ge [sflag:s22], $0x4000  }
0x6c: {  	[sflag:s22] =	ssyncset.done $0x0  }
0x6d: {  	[sflag:s22] =	ssyncadd.s32 $0xFFFFC000  }
0x6e: {  	_ =	swait.ge [sflag:s22], $0x4000  }
0x6f: {  	[sflag:s22] =	ssyncset.done $0x0  }
0x70: {  	[sflag:s22] =	ssyncadd.s32 $0xFFFFC000  }
0x71: {  	_ =	swait.ge [sflag:s22], $0x4000  }
0x72: {  	[sflag:s22] =	ssyncset.done $0x0  }
0x73: {  	[sflag:s22] =	ssyncadd.s32 $0xFFFFC000  }
0x74: {  	_ =	swait.ge [sflag:s22], $0x4000  }
.Ltmp1:
0x75: {  	[sflag:s22] =	ssyncset.done $0x0;
	(pc) =	sbr.rel @p0 .LBB2_1-.Ltmp1, $4  }
0x76: {  	[sflag:s22] =	ssyncadd.s32 $0xFFFFC000  }
0x77: {  	[hbm4b:s23+s3] =	stream.linear.scatter [tilespmem:s16], [sflag:$0x2], $0x18000, $0x38;
	[tilespmem:$0x18400] =	vst v63  }
0x78: {  	_ =	swait.ge [sflag:s4], $0x18000  }
0x79: {  	[sflag:s4] =	ssyncset.done $0x0  }
.LBB2_2:
0x7a: {  	[sflag:s4] =	ssyncadd.s32 $0xFFFE8000  }
0x7b: {  	_ =	sfence.sel $0x180000  }
0x7c: {  	[bflag:$0x0] =	sbarrier.arrive $0xFFFF  }
0x7d: {  	p0 =	sne.s32 s0, $0x0;
	_ =	strace $0x90000047  }
0x7e: {  	s0 =	sadd.s32 @!p0 $0x100000, s1;
	[bflag:$0x2] =	sbarrier.arrive $0xFFFF  }
0x7f: {  	[sflag:s0] =	ssyncadd.tile.s32 @!p0 $0x1;
	_ =	shalt  }
.Lfunc_end2:
_tile_overlayer_lowered:
.L_overlay_start_2:
0x80: {  	(tag) =	ssettag $0x2  }
0x81: {  	s0 =	rddreg [dreg:$0x0];
	s2 =	stileid.u32  }
0x82: {  	s1 =	rddreg [dreg:$0x1];
	p0 =	sne.s32 s2, $0x0  }
0x83: {  	s3 =	rddreg [dreg:$0x2];
	[bflag:$0x3] =	sbarrier.arrive $0xFFFF;
	s2 =	simm.s32 @!p0 $0x1C02  }
0x84: {  	[timem:s3], [sflag:s2] =	dma.local @!p0 [hbm:s0], s1  }
0x85: {  	s0 =	simm.s32 @!p0 $0x2  }
0x86: {  	_ =	swait.ge @!p0 [sflag:s0], s1  }
0x87: {  	s1 =	ssub.s32 @!p0 $0x0, s1;
	[sflag:s0] =	ssyncset.done @!p0 $0x0  }
0x88: {  	[sflag:s0] =	ssyncadd.s32 @!p0 s1  }
0x89: {  	[bflag:$0x3] =	sbarrier.arrive $0xFFFF  }
0x8a: {  	_ =	shalt  }

</sc_bundles>
